<compile_context>
chip_gen: v7x
topology: tpu7x:2x2x1
jax: 0.10.2.dev20260603
libtpu: 0.0.44.dev20260713+nightly
codegen_flags: <defaults>
</compile_context>

<pallas_src>
import functools

import jax
import jax.numpy as jnp
from jax.experimental import pallas as pl
from jax.experimental.pallas import tpu as pltpu
from jax.experimental.pallas import tpu_sc as plsc

E = 64
D = 768
FF = 256
T = 2048
BT = 64
NW = 32
TOK = T // NW
OFFS_LEN = 80


def _router_body(x_ref, gw_ref, logits_ref, pos_ref, wtop_ref, offs_ref):
    x = x_ref[...]
    gw = gw_ref[...]
    logits = jax.lax.dot_general(
        x, gw, (((1,), (1,)), ((), ())), preferred_element_type=jnp.float32)
    logits_ref[...] = logits

    m = jnp.max(logits, axis=1, keepdims=True)
    s = jnp.sum(jnp.exp(logits - m), axis=1, keepdims=True)
    wtop_ref[...] = jnp.broadcast_to(1.0 / s, (T, 128))

    iota_e = jax.lax.broadcasted_iota(jnp.int32, (T, E), 1)
    eidx = jnp.min(jnp.where(logits == m, iota_e, E), axis=1, keepdims=True)
    onehot = (iota_e == eidx).astype(jnp.bfloat16)

    counts = jnp.sum(onehot.astype(jnp.float32), axis=0, keepdims=True)
    bi = jax.lax.broadcasted_iota(jnp.int32, (E, E), 0)
    bj = jax.lax.broadcasted_iota(jnp.int32, (E, E), 1)
    lt = (bi < bj).astype(jnp.float32)
    offs = jax.lax.dot_general(
        counts, lt, (((1,), (0,)), ((), ())), preferred_element_type=jnp.float32)

    blk = 256
    nb = T // blk
    ri = jax.lax.broadcasted_iota(jnp.int32, (blk, blk), 0)
    ci = jax.lax.broadcasted_iota(jnp.int32, (blk, blk), 1)
    g256 = (ci < ri).astype(jnp.bfloat16)
    ki = jax.lax.broadcasted_iota(jnp.int32, (nb, T), 0)
    ti = jax.lax.broadcasted_iota(jnp.int32, (nb, T), 1) // blk
    sel = (ki == ti).astype(jnp.bfloat16)
    bsum = jax.lax.dot_general(
        sel, onehot, (((1,), (0,)), ((), ())), preferred_element_type=jnp.float32)
    bi8 = jax.lax.broadcasted_iota(jnp.int32, (nb, nb), 0)
    bj8 = jax.lax.broadcasted_iota(jnp.int32, (nb, nb), 1)
    ltb = (bj8 < bi8).astype(jnp.float32)
    bpre = jax.lax.dot_general(
        ltb, bsum, (((1,), (0,)), ((), ())), preferred_element_type=jnp.float32)
    csum_parts = []
    for k in range(nb):
        local = jax.lax.dot_general(
            g256, onehot[k * blk:(k + 1) * blk, :], (((1,), (0,)), ((), ())),
            preferred_element_type=jnp.float32)
        csum_parts.append(local + bpre[k:k + 1, :])
    csum = jnp.concatenate(csum_parts, axis=0)

    posf = jnp.sum((csum + offs) * onehot.astype(jnp.float32),
                   axis=1, keepdims=True)
    pos_ref[...] = posf.astype(jnp.int32)

    offs_i = offs.astype(jnp.int32)
    offs_ref[...] = jnp.concatenate(
        [offs_i, jnp.full((1, OFFS_LEN - E), T, jnp.int32)], axis=1)


def _router(x, gate_w):
    return pl.pallas_call(
        _router_body,
        out_shape=(
            jax.ShapeDtypeStruct((T, E), jnp.float32),
            jax.ShapeDtypeStruct((T, 1), jnp.int32),
            jax.ShapeDtypeStruct((T, 128), jnp.float32),
            jax.ShapeDtypeStruct((1, OFFS_LEN), jnp.int32),
        ),
        compiler_params=pltpu.CompilerParams(vmem_limit_bytes=100_000_000),
    )(x, gate_w)


def _dispatch_body(x_hbm, pos_hbm, w16_hbm, xs_hbm, ws_hbm,
                   pos_v, rows_v, w16_v, sem_x, sem_w):
    wid = jax.lax.axis_index("s") * 2 + jax.lax.axis_index("c")
    base = wid * TOK
    ld_p = pltpu.async_copy(pos_hbm.at[pl.ds(base, TOK)], pos_v, sem_x)
    ld_x = pltpu.async_copy(x_hbm.at[pl.ds(base, TOK)], rows_v, sem_w)
    ld_w = pltpu.async_copy(w16_hbm.at[pl.ds(base, TOK)], w16_v, sem_x)
    ld_p.wait()
    ld_x.wait()
    ld_w.wait()
    cp_x = pltpu.async_copy(rows_v, xs_hbm.at[pos_v], sem_x)
    cp_w = pltpu.async_copy(w16_v, ws_hbm.at[pos_v], sem_w)
    cp_x.wait()
    cp_w.wait()


@functools.cache
def _sc_kernels():
    mesh = plsc.VectorSubcoreMesh(core_axis_name="c", subcore_axis_name="s")
    dispatch = pl.kernel(
        _dispatch_body,
        out_type=[
            jax.ShapeDtypeStruct((T, D), jnp.float32),
            jax.ShapeDtypeStruct((T, 128), jnp.float32),
        ],
        mesh=mesh,
        scratch_types=[
            pltpu.VMEM((TOK,), jnp.int32),
            pltpu.VMEM((TOK, D), jnp.float32),
            pltpu.VMEM((TOK, 128), jnp.float32),
            pltpu.SemaphoreType.DMA,
            pltpu.SemaphoreType.DMA,
        ],
    )
    combine = pl.kernel(
        _combine_body,
        out_type=jax.ShapeDtypeStruct((T, D), jnp.float32),
        mesh=mesh,
        scratch_types=[
            pltpu.VMEM((TOK,), jnp.int32),
            pltpu.VMEM((TOK, D), jnp.float32),
            pltpu.SemaphoreType.DMA,
        ],
    )
    return dispatch, combine


EPG = 4


def _mlp_body(offs_ref, xs_ref, ws_ref, wg_ref, wu_ref, wd_ref, ys_ref):
    step = pl.program_id(0)

    @pl.when(step == 0)
    def _():
        ys_ref[...] = jnp.zeros_like(ys_ref)

    for j in range(EPG):
        e = step * EPG + j
        start = offs_ref[0, e]
        end = offs_ref[0, e + 1]
        s8 = (start // 8) * 8
        nb = (end - s8 + BT - 1) // BT
        wg = wg_ref[j].astype(jnp.bfloat16)
        wu = wu_ref[j].astype(jnp.bfloat16)
        wd = wd_ref[j].astype(jnp.bfloat16)

        def body(b, _, start=start, end=end, s8=s8, wg=wg, wu=wu, wd=wd):
            row0 = s8 + b * BT
            row0c = pl.multiple_of(jnp.minimum(row0, T - BT), 8)
            xb = xs_ref[pl.ds(row0c, BT), :].astype(jnp.bfloat16)
            g = jax.lax.dot_general(
                xb, wg, (((1,), (1,)), ((), ())),
                preferred_element_type=jnp.float32)
            u = jax.lax.dot_general(
                xb, wu, (((1,), (1,)), ((), ())),
                preferred_element_type=jnp.float32)
            h = g * (1.0 / (1.0 + jnp.exp(-g))) * u
            y = jax.lax.dot_general(
                h.astype(jnp.bfloat16), wd, (((1,), (1,)), ((), ())),
                preferred_element_type=jnp.float32)
            rows = row0c + jax.lax.broadcasted_iota(jnp.int32, (BT, 1), 0)
            mask = ((rows >= jnp.maximum(row0, start))
                    & (rows < jnp.minimum(row0 + BT, end))).astype(jnp.float32)
            wv = ws_ref[pl.ds(row0c, BT), 0:1]
            ys_ref[pl.ds(row0c, BT), :] += y * (wv * mask)
            return 0

        jax.lax.fori_loop(0, nb, body, 0)


def _mlp(offs, xs, ws, w_gate_proj, w_up_proj, w_down_proj):
    return pl.pallas_call(
        _mlp_body,
        grid=(E // EPG,),
        in_specs=[
            pl.BlockSpec(memory_space=pltpu.SMEM),
            pl.BlockSpec((T, D), lambda e: (0, 0)),
            pl.BlockSpec((T, 128), lambda e: (0, 0)),
            pl.BlockSpec((EPG, FF, D), lambda e: (e, 0, 0)),
            pl.BlockSpec((EPG, FF, D), lambda e: (e, 0, 0)),
            pl.BlockSpec((EPG, D, FF), lambda e: (e, 0, 0)),
        ],
        out_specs=pl.BlockSpec((T, D), lambda e: (0, 0)),
        out_shape=jax.ShapeDtypeStruct((T, D), jnp.float32),
        compiler_params=pltpu.CompilerParams(
            dimension_semantics=("arbitrary",),
            vmem_limit_bytes=100_000_000,
        ),
    )(offs, xs, ws, w_gate_proj, w_up_proj, w_down_proj)


def _combine_body(ys_hbm, pos_hbm, out_hbm, pos_v, rows_v, sem):
    wid = jax.lax.axis_index("s") * 2 + jax.lax.axis_index("c")
    base = wid * TOK
    pltpu.sync_copy(pos_hbm.at[pl.ds(base, TOK)], pos_v)
    pltpu.async_copy(ys_hbm.at[pos_v], rows_v, sem).wait()
    pltpu.sync_copy(rows_v, out_hbm.at[pl.ds(base, TOK)])


def kernel(hidden_states, gate_w, w_gate_proj, w_up_proj, w_down_proj):
    bsz, seq_len, d = hidden_states.shape
    x = hidden_states.reshape(bsz * seq_len, d)
    logits, pos2d, wtop16, offs = _router(x, gate_w)
    dispatch, combine = _sc_kernels()
    pos = pos2d.reshape(-1)
    xs, ws = dispatch(x, pos, wtop16)
    ys = _mlp(offs, xs, ws, w_gate_proj, w_up_proj, w_down_proj)
    out = combine(ys, pos)
    return (out.reshape(bsz, seq_len, d), logits)

# --- scband reference (transcript-rebuilt; emitter-appended) ---
"""Pipeline reference for scband-base-moe-54494545051820 (READ-ONLY COPY).

The authoritative reference and input builder live on the scoring server;
editing this copy changes nothing except your own understanding.
"""

import jax, jax.numpy as jnp
import numpy as np

E = 64      # num_experts
K = 1       # num_experts_per_tok
D = 768     # hidden_size
FF = 256    # moe_intermediate_size
B = 1
S = 2048


def setup_inputs(seed: int = 0) -> dict:
    key = jax.random.key(seed)
    ks = jax.random.split(key, 5)
    hidden_states = jax.random.normal(ks[0], (B, S, D), dtype=jnp.float32)
    gate_w = jax.random.normal(ks[1], (E, D), dtype=jnp.float32) * 0.02          # router: nn.Linear(D, E, bias=False)
    w_gate_proj = jax.random.normal(ks[2], (E, FF, D), dtype=jnp.float32) * 0.02  # per-expert gate_proj
    w_up_proj = jax.random.normal(ks[3], (E, FF, D), dtype=jnp.float32) * 0.02    # per-expert up_proj
    w_down_proj = jax.random.normal(ks[4], (E, D, FF), dtype=jnp.float32) * 0.02  # per-expert down_proj
    return {
        "hidden_states": hidden_states,
        "gate_w": gate_w,
        "w_gate_proj": w_gate_proj,
        "w_up_proj": w_up_proj,
        "w_down_proj": w_down_proj,
    }


def reference(hidden_states, gate_w, w_gate_proj, w_up_proj, w_down_proj):
    bsz, seq_len, d = hidden_states.shape
    x = hidden_states.reshape(bsz * seq_len, d)
    T = x.shape[0]
    # router
    router_logits = x @ gate_w.T                                  # [T, E]
    router_weights = jax.nn.softmax(router_logits, axis=-1)
    topk_weights, topk_indices = jax.lax.top_k(router_weights, K)  # [T, K]
    # dense per-token routing matrix (top_k indices are distinct, so .set is safe)
    route = jnp.zeros((T, E), dtype=x.dtype).at[jnp.arange(T)[:, None], topk_indices].set(topk_weights)
    # expert computation: mathematically equivalent to the masked gather/index_add_
    # loop in the torch module (non-selected tokens get weight 0).
    out = jnp.zeros((T, d), dtype=x.dtype)
    for e in range(E):
        h = jax.nn.silu(x @ w_gate_proj[e].T) * (x @ w_up_proj[e].T)  # SwiGLU MLP
        y = h @ w_down_proj[e].T
        out = out + y * route[:, e][:, None]
    out = out.reshape(bsz, seq_len, d)
    return (out, router_logits)

if __name__ == "__main__":
    import jax
    _d = setup_inputs()
    print(jax.jit(kernel)(*tuple(_d.values())))

</pallas_src>

<mosaic_0001>
#map = affine_map<(d0, d1) -> (0, 0)>
#map1 = affine_map<(d0, d1) -> (0)>
module attributes {stable_mosaic.version = 14 : i64} {
  func.func @_dispatch_body(%arg0: i32, %arg1: i32, %arg2: memref<2048x768xf32, #tpu.memory_space<hbm>>, %arg3: memref<2048xi32, #tpu.memory_space<hbm>>, %arg4: memref<2048x128xf32, #tpu.memory_space<hbm>>, %arg5: memref<2048x768xf32, #tpu.memory_space<hbm>>, %arg6: memref<2048x128xf32, #tpu.memory_space<hbm>>, %arg7: memref<64xi32, #tpu.memory_space<vmem>>, %arg8: memref<64x768xf32, #tpu.memory_space<vmem>>, %arg9: memref<64x128xf32, #tpu.memory_space<vmem>>, %arg10: memref<!tpu.dma_semaphore, #tpu.memory_space<semaphore_mem>>, %arg11: memref<!tpu.dma_semaphore, #tpu.memory_space<semaphore_mem>>) attributes {dimension_semantics = [#tpu.dimension_semantics<core_parallel>, #tpu.dimension_semantics<subcore_parallel>], iteration_bounds = array<i64: 2, 16>, scalar_prefetch = 0 : i64, scratch_operands = 5 : i64, tpu.core_type = #tpu.core_type<sc_vector_subcore>, window_params = [{transform_indices = #map}, {transform_indices = #map1}, {transform_indices = #map}, {transform_indices = #map}, {transform_indices = #map}]} {
    %mul3A = arith.constant 2 : i32
    %mul3A_0 = arith.muli %arg1, %mul3A : i32
    %add3A = arith.addi %mul3A_0, %arg0 : i32
    %mul3A_1 = arith.constant 64 : i32
    %mul3A_2 = arith.muli %add3A, %mul3A_1 : i32
    %dma_start3A = tpu.memref_slice %arg3[%mul3A_2] : memref<2048xi32, #tpu.memory_space<hbm>> -> memref<64xi32, #tpu.memory_space<hbm>>
    %dma_start3A_3 = tpu.memref_slice %arg3[%mul3A_2] : memref<2048xi32, #tpu.memory_space<hbm>> -> memref<64xi32, #tpu.memory_space<hbm>>
    tpu.enqueue_dma source(%dma_start3A_3 : memref<64xi32, #tpu.memory_space<hbm>>) target(%arg7 : memref<64xi32, #tpu.memory_space<vmem>>) target_semaphore(%arg10 : memref<!tpu.dma_semaphore, #tpu.memory_space<semaphore_mem>>)
    %dma_start3A_4 = arith.constant 0 : i32
    %dma_start3A_5 = tpu.memref_slice %arg2[%mul3A_2, %dma_start3A_4] : memref<2048x768xf32, #tpu.memory_space<hbm>> -> memref<64x768xf32, #tpu.memory_space<hbm>>
    %dma_start3A_6 = arith.constant 0 : i32
    %dma_start3A_7 = tpu.memref_slice %arg2[%mul3A_2, %dma_start3A_6] : memref<2048x768xf32, #tpu.memory_space<hbm>> -> memref<64x768xf32, #tpu.memory_space<hbm>>
    tpu.enqueue_dma source(%dma_start3A_7 : memref<64x768xf32, #tpu.memory_space<hbm>>) target(%arg8 : memref<64x768xf32, #tpu.memory_space<vmem>>) target_semaphore(%arg11 : memref<!tpu.dma_semaphore, #tpu.memory_space<semaphore_mem>>)
    %dma_start3A_8 = arith.constant 0 : i32
    %dma_start3A_9 = tpu.memref_slice %arg4[%mul3A_2, %dma_start3A_8] : memref<2048x128xf32, #tpu.memory_space<hbm>> -> memref<64x128xf32, #tpu.memory_space<hbm>>
    %dma_start3A_10 = arith.constant 0 : i32
    %dma_start3A_11 = tpu.memref_slice %arg4[%mul3A_2, %dma_start3A_10] : memref<2048x128xf32, #tpu.memory_space<hbm>> -> memref<64x128xf32, #tpu.memory_space<hbm>>
    tpu.enqueue_dma source(%dma_start3A_11 : memref<64x128xf32, #tpu.memory_space<hbm>>) target(%arg9 : memref<64x128xf32, #tpu.memory_space<vmem>>) target_semaphore(%arg10 : memref<!tpu.dma_semaphore, #tpu.memory_space<semaphore_mem>>)
    %dma_wait3A = tpu.memref_slice %arg3[%mul3A_2] : memref<2048xi32, #tpu.memory_space<hbm>> -> memref<64xi32, #tpu.memory_space<hbm>>
    %dma_wait3A_12 = tpu.memref_slice %arg3[%mul3A_2] : memref<2048xi32, #tpu.memory_space<hbm>> -> memref<64xi32, #tpu.memory_space<hbm>>
    tpu.wait_dma2 semaphore(%arg10 : memref<!tpu.dma_semaphore, #tpu.memory_space<semaphore_mem>>) src(%dma_wait3A_12 : memref<64xi32, #tpu.memory_space<hbm>>) dst(%arg7 : memref<64xi32, #tpu.memory_space<vmem>>)
    %dma_wait3A_13 = arith.constant 0 : i32
    %dma_wait3A_14 = tpu.memref_slice %arg2[%mul3A_2, %dma_wait3A_13] : memref<2048x768xf32, #tpu.memory_space<hbm>> -> memref<64x768xf32, #tpu.memory_space<hbm>>
    %dma_wait3A_15 = arith.constant 0 : i32
    %dma_wait3A_16 = tpu.memref_slice %arg2[%mul3A_2, %dma_wait3A_15] : memref<2048x768xf32, #tpu.memory_space<hbm>> -> memref<64x768xf32, #tpu.memory_space<hbm>>
    tpu.wait_dma2 semaphore(%arg11 : memref<!tpu.dma_semaphore, #tpu.memory_space<semaphore_mem>>) src(%dma_wait3A_16 : memref<64x768xf32, #tpu.memory_space<hbm>>) dst(%arg8 : memref<64x768xf32, #tpu.memory_space<vmem>>)
    %dma_wait3A_17 = arith.constant 0 : i32
    %dma_wait3A_18 = tpu.memref_slice %arg4[%mul3A_2, %dma_wait3A_17] : memref<2048x128xf32, #tpu.memory_space<hbm>> -> memref<64x128xf32, #tpu.memory_space<hbm>>
    %dma_wait3A_19 = arith.constant 0 : i32
    %dma_wait3A_20 = tpu.memref_slice %arg4[%mul3A_2, %dma_wait3A_19] : memref<2048x128xf32, #tpu.memory_space<hbm>> -> memref<64x128xf32, #tpu.memory_space<hbm>>
    tpu.wait_dma2 semaphore(%arg10 : memref<!tpu.dma_semaphore, #tpu.memory_space<semaphore_mem>>) src(%dma_wait3A_20 : memref<64x128xf32, #tpu.memory_space<hbm>>) dst(%arg9 : memref<64x128xf32, #tpu.memory_space<vmem>>)
    %dma_start3A_21 = arith.constant 0 : i32
    %dma_start3A_22 = arith.constant 0 : i32
    %dma_start3A_23 = tpu.memref_slice %arg5[%dma_start3A_21, %dma_start3A_22] : memref<2048x768xf32, #tpu.memory_space<hbm>> -> memref<2048x768xf32, #tpu.memory_space<hbm>>
    tpu.enqueue_indirect_dma source(%arg8 : memref<64x768xf32, #tpu.memory_space<vmem>>) target(%dma_start3A_23 : memref<2048x768xf32, #tpu.memory_space<hbm>>) offsets(%arg7 : memref<64xi32, #tpu.memory_space<vmem>>) semaphore(%arg10 : memref<!tpu.dma_semaphore, #tpu.memory_space<semaphore_mem>>)
    %dma_start3A_24 = arith.constant 0 : i32
    %dma_start3A_25 = arith.constant 0 : i32
    %dma_start3A_26 = tpu.memref_slice %arg6[%dma_start3A_24, %dma_start3A_25] : memref<2048x128xf32, #tpu.memory_space<hbm>> -> memref<2048x128xf32, #tpu.memory_space<hbm>>
    tpu.enqueue_indirect_dma source(%arg9 : memref<64x128xf32, #tpu.memory_space<vmem>>) target(%dma_start3A_26 : memref<2048x128xf32, #tpu.memory_space<hbm>>) offsets(%arg7 : memref<64xi32, #tpu.memory_space<vmem>>) semaphore(%arg11 : memref<!tpu.dma_semaphore, #tpu.memory_space<semaphore_mem>>)
    %dma_wait3A_27 = arith.constant 0 : i32
    %dma_wait3A_28 = arith.constant 0 : i32
    %dma_wait3A_29 = tpu.memref_slice %arg5[%dma_wait3A_27, %dma_wait3A_28] : memref<2048x768xf32, #tpu.memory_space<hbm>> -> memref<2048x768xf32, #tpu.memory_space<hbm>>
    tpu.wait_indirect_dma semaphore(%arg10 : memref<!tpu.dma_semaphore, #tpu.memory_space<semaphore_mem>>) src(%arg8 : memref<64x768xf32, #tpu.memory_space<vmem>>) dst(%dma_wait3A_29 : memref<2048x768xf32, #tpu.memory_space<hbm>>)
    %dma_wait3A_30 = arith.constant 0 : i32
    %dma_wait3A_31 = arith.constant 0 : i32
    %dma_wait3A_32 = tpu.memref_slice %arg6[%dma_wait3A_30, %dma_wait3A_31] : memref<2048x128xf32, #tpu.memory_space<hbm>> -> memref<2048x128xf32, #tpu.memory_space<hbm>>
    tpu.wait_indirect_dma semaphore(%arg11 : memref<!tpu.dma_semaphore, #tpu.memory_space<semaphore_mem>>) src(%arg9 : memref<64x128xf32, #tpu.memory_space<vmem>>) dst(%dma_wait3A_32 : memref<2048x128xf32, #tpu.memory_space<hbm>>)
    return
  }
}

#map = affine_map<(d0, d1) -> (0, 0)>
#map1 = affine_map<(d0, d1) -> (0)>
module attributes {stable_mosaic.version = 14 : i64} {
  func.func @_combine_body(%arg0: i32, %arg1: i32, %arg2: memref<2048x768xf32, #tpu.memory_space<hbm>>, %arg3: memref<2048xi32, #tpu.memory_space<hbm>>, %arg4: memref<2048x768xf32, #tpu.memory_space<hbm>>, %arg5: memref<64xi32, #tpu.memory_space<vmem>>, %arg6: memref<64x768xf32, #tpu.memory_space<vmem>>, %arg7: memref<!tpu.dma_semaphore, #tpu.memory_space<semaphore_mem>>) attributes {dimension_semantics = [#tpu.dimension_semantics<core_parallel>, #tpu.dimension_semantics<subcore_parallel>], iteration_bounds = array<i64: 2, 16>, scalar_prefetch = 0 : i64, scratch_operands = 3 : i64, tpu.core_type = #tpu.core_type<sc_vector_subcore>, window_params = [{transform_indices = #map}, {transform_indices = #map1}, {transform_indices = #map}]} {
    %mul3A = arith.constant 2 : i32
    %mul3A_0 = arith.muli %arg1, %mul3A : i32
    %add3A = arith.addi %mul3A_0, %arg0 : i32
    %mul3A_1 = arith.constant 64 : i32
    %mul3A_2 = arith.muli %add3A, %mul3A_1 : i32
    "tpu.region"() ({
      %run_scoped3A = tpu.sem_alloc : memref<!tpu.dma_semaphore, #tpu.memory_space<semaphore_mem>>
      %dma_start3A_7 = tpu.memref_slice %arg3[%mul3A_2] : memref<2048xi32, #tpu.memory_space<hbm>> -> memref<64xi32, #tpu.memory_space<hbm>>
      %dma_start3A_8 = tpu.memref_slice %arg3[%mul3A_2] : memref<2048xi32, #tpu.memory_space<hbm>> -> memref<64xi32, #tpu.memory_space<hbm>>
      tpu.enqueue_dma source(%dma_start3A_8 : memref<64xi32, #tpu.memory_space<hbm>>) target(%arg5 : memref<64xi32, #tpu.memory_space<vmem>>) target_semaphore(%run_scoped3A : memref<!tpu.dma_semaphore, #tpu.memory_space<semaphore_mem>>)
      %dma_wait3A_9 = tpu.memref_slice %arg3[%mul3A_2] : memref<2048xi32, #tpu.memory_space<hbm>> -> memref<64xi32, #tpu.memory_space<hbm>>
      %dma_wait3A_10 = tpu.memref_slice %arg3[%mul3A_2] : memref<2048xi32, #tpu.memory_space<hbm>> -> memref<64xi32, #tpu.memory_space<hbm>>
      tpu.wait_dma2 semaphore(%run_scoped3A : memref<!tpu.dma_semaphore, #tpu.memory_space<semaphore_mem>>) src(%dma_wait3A_10 : memref<64xi32, #tpu.memory_space<hbm>>) dst(%arg5 : memref<64xi32, #tpu.memory_space<vmem>>)
      tpu.yield
    }) : () -> ()
    %dma_start3A = arith.constant 0 : i32
    %dma_start3A_3 = arith.constant 0 : i32
    %dma_start3A_4 = tpu.memref_slice %arg2[%dma_start3A, %dma_start3A_3] : memref<2048x768xf32, #tpu.memory_space<hbm>> -> memref<2048x768xf32, #tpu.memory_space<hbm>>
    tpu.enqueue_indirect_dma source(%dma_start3A_4 : memref<2048x768xf32, #tpu.memory_space<hbm>>) target(%arg6 : memref<64x768xf32, #tpu.memory_space<vmem>>) offsets(%arg5 : memref<64xi32, #tpu.memory_space<vmem>>) semaphore(%arg7 : memref<!tpu.dma_semaphore, #tpu.memory_space<semaphore_mem>>)
    %dma_wait3A = arith.constant 0 : i32
    %dma_wait3A_5 = arith.constant 0 : i32
    %dma_wait3A_6 = tpu.memref_slice %arg2[%dma_wait3A, %dma_wait3A_5] : memref<2048x768xf32, #tpu.memory_space<hbm>> -> memref<2048x768xf32, #tpu.memory_space<hbm>>
    tpu.wait_indirect_dma semaphore(%arg7 : memref<!tpu.dma_semaphore, #tpu.memory_space<semaphore_mem>>) src(%dma_wait3A_6 : memref<2048x768xf32, #tpu.memory_space<hbm>>) dst(%arg6 : memref<64x768xf32, #tpu.memory_space<vmem>>)
    "tpu.region"() ({
      %run_scoped3A = tpu.sem_alloc : memref<!tpu.dma_semaphore, #tpu.memory_space<semaphore_mem>>
      %dma_start3A_7 = arith.constant 0 : i32
      %dma_start3A_8 = tpu.memref_slice %arg4[%mul3A_2, %dma_start3A_7] : memref<2048x768xf32, #tpu.memory_space<hbm>> -> memref<64x768xf32, #tpu.memory_space<hbm>>
      %dma_start3A_9 = arith.constant 0 : i32
      %dma_start3A_10 = tpu.memref_slice %arg4[%mul3A_2, %dma_start3A_9] : memref<2048x768xf32, #tpu.memory_space<hbm>> -> memref<64x768xf32, #tpu.memory_space<hbm>>
      tpu.enqueue_dma source(%arg6 : memref<64x768xf32, #tpu.memory_space<vmem>>) target(%dma_start3A_10 : memref<64x768xf32, #tpu.memory_space<hbm>>) target_semaphore(%run_scoped3A : memref<!tpu.dma_semaphore, #tpu.memory_space<semaphore_mem>>)
      %dma_wait3A_11 = arith.constant 0 : i32
      %dma_wait3A_12 = tpu.memref_slice %arg4[%mul3A_2, %dma_wait3A_11] : memref<2048x768xf32, #tpu.memory_space<hbm>> -> memref<64x768xf32, #tpu.memory_space<hbm>>
      %dma_wait3A_13 = arith.constant 0 : i32
      %dma_wait3A_14 = tpu.memref_slice %arg4[%mul3A_2, %dma_wait3A_13] : memref<2048x768xf32, #tpu.memory_space<hbm>> -> memref<64x768xf32, #tpu.memory_space<hbm>>
      tpu.wait_dma2 semaphore(%run_scoped3A : memref<!tpu.dma_semaphore, #tpu.memory_space<semaphore_mem>>) src(%arg6 : memref<64x768xf32, #tpu.memory_space<vmem>>) dst(%dma_wait3A_14 : memref<64x768xf32, #tpu.memory_space<hbm>>)
      tpu.yield
    }) : () -> ()
    return
  }
}

module attributes {stable_mosaic.version = 14 : i64} {
  func.func @_mlp_body(%arg0: i32, %arg1: memref<1x80xi32, #tpu.memory_space<smem>>, %arg2: memref<2048x768xf32, #tpu.memory_space<vmem>>, %arg3: memref<2048x128xf32, #tpu.memory_space<vmem>>, %arg4: memref<4x256x768xf32, #tpu.memory_space<vmem>>, %arg5: memref<4x256x768xf32, #tpu.memory_space<vmem>>, %arg6: memref<4x768x256xf32, #tpu.memory_space<vmem>>, %arg7: memref<2048x768xf32, #tpu.memory_space<vmem>>) attributes {dimension_semantics = [#tpu.dimension_semantics<arbitrary>], iteration_bounds = array<i64: 16>, scalar_prefetch = 0 : i64, scratch_operands = 0 : i64, tpu.core_type = #tpu.core_type<tc>, window_params = [{transform_indices = @transform_0, window_bounds = array<i64: 1, 80>}, {pipeline_mode = #tpu.pipeline_mode<synchronous>, transform_indices = @transform_1, window_bounds = array<i64: 2048, 768>}, {pipeline_mode = #tpu.pipeline_mode<synchronous>, transform_indices = @transform_2, window_bounds = array<i64: 2048, 128>}, {transform_indices = @transform_3, window_bounds = array<i64: 4, 256, 768>}, {transform_indices = @transform_4, window_bounds = array<i64: 4, 256, 768>}, {transform_indices = @transform_5, window_bounds = array<i64: 4, 768, 256>}, {pipeline_mode = #tpu.pipeline_mode<synchronous>, transform_indices = @transform_6, window_bounds = array<i64: 2048, 768>}]} {
    %eq3A = arith.constant 0 : i32
    %eq3A_0 = arith.cmpi eq, %arg0, %eq3A : i32
    %convert_element_type3A = arith.extui %eq3A_0 : i1 to i32
    %cond3A = arith.constant 0 : i32
    %cond3A_1 = arith.cmpi ne, %convert_element_type3A, %cond3A : i32
    scf.if %cond3A_1 {
      %broadcast_in_dim3A = arith.constant 0.000000e+00 : f32
      %broadcast_in_dim3A_378 = vector.broadcast %broadcast_in_dim3A : f32 to vector<2048x768xf32>
      %swap3A = arith.constant 0 : index
      %swap3A_379 = arith.constant 0 : index
      %swap3A_380 = vector.load %arg7[%swap3A, %swap3A_379] : memref<2048x768xf32, #tpu.memory_space<vmem>>, vector<2048x768xf32>
      tpu.vector_store %arg7[%swap3A, %swap3A_379], %broadcast_in_dim3A_378 {strides = array<i32>} : memref<2048x768xf32, #tpu.memory_space<vmem>>, vector<2048x768xf32>,
    } else {
    }
    %mul3A = arith.constant 4 : i32
    %mul3A_2 = arith.muli %arg0, %mul3A : i32
    %add3A = arith.constant 0 : i32
    %add3A_3 = arith.addi %mul3A_2, %add3A : i32
    %get3A = arith.constant 0 : index
    %get3A_4 = arith.index_cast %add3A_3 : i32 to index
    %get3A_5 = memref.load %arg1[%get3A, %get3A_4] : memref<1x80xi32, #tpu.memory_space<smem>>
    %add3A_6 = arith.constant 1 : i32
    %add3A_7 = arith.addi %add3A_3, %add3A_6 : i32
    %get3A_8 = arith.constant 0 : index
    %get3A_9 = arith.index_cast %add3A_7 : i32 to index
    %get3A_10 = memref.load %arg1[%get3A_8, %get3A_9] : memref<1x80xi32, #tpu.memory_space<smem>>
    %jit3A = arith.constant 8 : i32
    %div3A = arith.divsi %get3A_5, %jit3A : i32
    %sign3A = arith.constant 0 : i32
    %sign3A_11 = arith.cmpi sgt, %get3A_5, %sign3A : i32
    %sign3A_12 = arith.extui %sign3A_11 : i1 to i32
    %sign3A_13 = arith.constant 0 : i32
    %sign3A_14 = arith.cmpi slt, %get3A_5, %sign3A_13 : i32
    %sign3A_15 = arith.extui %sign3A_14 : i1 to i32
    %sign3A_16 = arith.subi %sign3A_12, %sign3A_15 : i32
    %sign3A_17 = arith.constant 0 : i32
    %sign3A_18 = arith.cmpi sgt, %jit3A, %sign3A_17 : i32
    %sign3A_19 = arith.extui %sign3A_18 : i1 to i32
    %sign3A_20 = arith.constant 0 : i32
    %sign3A_21 = arith.cmpi slt, %jit3A, %sign3A_20 : i32
    %sign3A_22 = arith.extui %sign3A_21 : i1 to i32
    %sign3A_23 = arith.subi %sign3A_19, %sign3A_22 : i32
    %ne3A = arith.cmpi ne, %sign3A_16, %sign3A_23 : i32
    %rem3A = arith.remsi %get3A_5, %jit3A : i32
    %ne3A_24 = arith.constant 0 : i32
    %ne3A_25 = arith.cmpi ne, %rem3A, %ne3A_24 : i32
    %and3A = arith.andi %ne3A, %ne3A_25 : i1
    %sub3A = arith.constant 1 : i32
    %sub3A_26 = arith.subi %div3A, %sub3A : i32
    %select_n3A = arith.select %and3A, %sub3A_26, %div3A : i32
    %mul3A_27 = arith.constant 8 : i32
    %mul3A_28 = arith.muli %select_n3A, %mul3A_27 : i32
    %sub3A_29 = arith.subi %get3A_10, %mul3A_28 : i32
    %add3A_30 = arith.constant 64 : i32
    %add3A_31 = arith.addi %sub3A_29, %add3A_30 : i32
    %sub3A_32 = arith.constant 1 : i32
    %sub3A_33 = arith.subi %add3A_31, %sub3A_32 : i32
    %jit3A_34 = arith.constant 64 : i32
    %div3A_35 = arith.divsi %sub3A_33, %jit3A_34 : i32
    %sign3A_36 = arith.constant 0 : i32
    %sign3A_37 = arith.cmpi sgt, %sub3A_33, %sign3A_36 : i32
    %sign3A_38 = arith.extui %sign3A_37 : i1 to i32
    %sign3A_39 = arith.constant 0 : i32
    %sign3A_40 = arith.cmpi slt, %sub3A_33, %sign3A_39 : i32
    %sign3A_41 = arith.extui %sign3A_40 : i1 to i32
    %sign3A_42 = arith.subi %sign3A_38, %sign3A_41 : i32
    %sign3A_43 = arith.constant 0 : i32
    %sign3A_44 = arith.cmpi sgt, %jit3A_34, %sign3A_43 : i32
    %sign3A_45 = arith.extui %sign3A_44 : i1 to i32
    %sign3A_46 = arith.constant 0 : i32
    %sign3A_47 = arith.cmpi slt, %jit3A_34, %sign3A_46 : i32
    %sign3A_48 = arith.extui %sign3A_47 : i1 to i32
    %sign3A_49 = arith.subi %sign3A_45, %sign3A_48 : i32
    %ne3A_50 = arith.cmpi ne, %sign3A_42, %sign3A_49 : i32
    %rem3A_51 = arith.remsi %sub3A_33, %jit3A_34 : i32
    %ne3A_52 = arith.constant 0 : i32
    %ne3A_53 = arith.cmpi ne, %rem3A_51, %ne3A_52 : i32
    %and3A_54 = arith.andi %ne3A_50, %ne3A_53 : i1
    %sub3A_55 = arith.constant 1 : i32
    %sub3A_56 = arith.subi %div3A_35, %sub3A_55 : i32
    %select_n3A_57 = arith.select %and3A_54, %sub3A_56, %div3A_35 : i32
    %get3A_58 = arith.constant 0 : index
    %get3A_59 = arith.constant 0 : index
    %get3A_60 = arith.constant 0 : index
    %get3A_61 = vector.load %arg4[%get3A_58, %get3A_59, %get3A_60] : memref<4x256x768xf32, #tpu.memory_space<vmem>>, vector<1x256x768xf32>
    %get3A_62 = vector.shape_cast %get3A_61 : vector<1x256x768xf32> to vector<256x768xf32>
    %convert_element_type3A_63 = arith.truncf %get3A_62 : vector<256x768xf32> to vector<256x768xbf16>
    %get3A_64 = arith.constant 0 : index
    %get3A_65 = arith.constant 0 : index
    %get3A_66 = arith.constant 0 : index
    %get3A_67 = vector.load %arg5[%get3A_64, %get3A_65, %get3A_66] : memref<4x256x768xf32, #tpu.memory_space<vmem>>, vector<1x256x768xf32>
    %get3A_68 = vector.shape_cast %get3A_67 : vector<1x256x768xf32> to vector<256x768xf32>
    %convert_element_type3A_69 = arith.truncf %get3A_68 : vector<256x768xf32> to vector<256x768xbf16>
    %get3A_70 = arith.constant 0 : index
    %get3A_71 = arith.constant 0 : index
    %get3A_72 = arith.constant 0 : index
    %get3A_73 = vector.load %arg6[%get3A_70, %get3A_71, %get3A_72] : memref<4x768x256xf32, #tpu.memory_space<vmem>>, vector<1x768x256xf32>
    %get3A_74 = vector.shape_cast %get3A_73 : vector<1x768x256xf32> to vector<768x256xf32>
    %convert_element_type3A_75 = arith.truncf %get3A_74 : vector<768x256xf32> to vector<768x256xbf16>
    %while3A = arith.constant 0 : i32
    %while3A_76 = arith.constant 0 : i32
    %while3A_77 = arith.subi %select_n3A_57, %while3A : i32
    %while3A_78 = arith.addi %while3A, %while3A_77 : i32
    %while3A_79 = arith.constant 1 : i32
    %while3A_80 = arith.divsi %while3A_77, %while3A_79 : i32
    %while3A_81 = arith.muli %while3A_80, %while3A_79 : i32
    %while3A_82 = arith.addi %while3A, %while3A_81 : i32
    %while3A_83 = arith.constant 1 : i32
    %while3A_84 = scf.for %while3A_378 = %while3A to %while3A_82 step %while3A_83 iter_args(%while3A_379 = %while3A_76) -> (i32)  : i32 {
      %mul3A_380 = arith.constant 64 : i32
      %mul3A_381 = arith.muli %while3A_378, %mul3A_380 : i32
      %add3A_382 = arith.addi %mul3A_28, %mul3A_381 : i32
      %min3A = arith.constant 1984 : i32
      %min3A_383 = arith.minsi %add3A_382, %min3A : i32
      %multiple_of3A = tpu.assume_multiple %min3A_383, 8 : i32
      %get3A_384 = arith.index_cast %multiple_of3A : i32 to index
      %get3A_385 = arith.constant 0 : index
      %get3A_386 = vector.load %arg2[%get3A_384, %get3A_385] : memref<2048x768xf32, #tpu.memory_space<vmem>>, vector<64x768xf32>
      %convert_element_type3A_387 = arith.truncf %get3A_386 : vector<64x768xf32> to vector<64x768xbf16>
      %dot_general3A = arith.constant dense<0.000000e+00> : vector<64x256xf32>
      %dot_general3A_388 = tpu.matmul %convert_element_type3A_387, %convert_element_type3A_63, %dot_general3A {dimension_numbers = #tpu.dot_dimension_numbers<[1], [1], [0], [0], [0, 0, 1, 0], [], []>, transpose_lhs_hint = false} : vector<64x768xbf16>, vector<256x768xbf16>, vector<64x256xf32> -> vector<64x256xf32>
      %dot_general3A_389 = arith.constant dense<0.000000e+00> : vector<64x256xf32>
      %dot_general3A_390 = tpu.matmul %convert_element_type3A_387, %convert_element_type3A_69, %dot_general3A_389 {dimension_numbers = #tpu.dot_dimension_numbers<[1], [1], [0], [0], [0, 0, 1, 0], [], []>, transpose_lhs_hint = false} : vector<64x768xbf16>, vector<256x768xbf16>, vector<64x256xf32> -> vector<64x256xf32>
      %neg3A = arith.constant 0.000000e+00 : f32
      %neg3A_391 = vector.broadcast %neg3A : f32 to vector<64x256xf32>
      %neg3A_392 = arith.subf %neg3A_391, %dot_general3A_388 : vector<64x256xf32>
      %exp3A = math.exp %neg3A_392 : vector<64x256xf32>
      %add3A_393 = arith.constant 1.000000e+00 : f32
      %add3A_394 = vector.broadcast %add3A_393 : f32 to vector<64x256xf32>
      %add3A_395 = arith.addf %add3A_394, %exp3A : vector<64x256xf32>
      %div3A_396 = arith.constant 1.000000e+00 : f32
      %div3A_397 = vector.broadcast %div3A_396 : f32 to vector<64x256xf32>
      %div3A_398 = arith.divf %div3A_397, %add3A_395 : vector<64x256xf32>
      %mul3A_399 = arith.mulf %dot_general3A_388, %div3A_398 : vector<64x256xf32>
      %mul3A_400 = arith.mulf %mul3A_399, %dot_general3A_390 : vector<64x256xf32>
      %convert_element_type3A_401 = arith.truncf %mul3A_400 : vector<64x256xf32> to vector<64x256xbf16>
      %dot_general3A_402 = arith.constant dense<0.000000e+00> : vector<64x768xf32>
      %dot_general3A_403 = tpu.matmul %convert_element_type3A_401, %convert_element_type3A_75, %dot_general3A_402 {dimension_numbers = #tpu.dot_dimension_numbers<[1], [1], [0], [0], [0, 0, 1, 0], [], []>, transpose_lhs_hint = false} : vector<64x256xbf16>, vector<768x256xbf16>, vector<64x768xf32> -> vector<64x768xf32>
      %iota3A = tpu.iota {dimensions = array<i32: 0>} : vector<64x1xi32>
      %add3A_404 = vector.broadcast %multiple_of3A : i32 to vector<64x1xi32>
      %add3A_405 = arith.addi %add3A_404, %iota3A : vector<64x1xi32>
      %max3A = arith.maxsi %add3A_382, %get3A_5 : i32
      %ge3A = vector.broadcast %max3A : i32 to vector<64x1xi32>
      %ge3A_406 = arith.cmpi sge, %add3A_405, %ge3A : vector<64x1xi32>
      %add3A_407 = arith.constant 64 : i32
      %add3A_408 = arith.addi %add3A_382, %add3A_407 : i32
      %min3A_409 = arith.minsi %add3A_408, %get3A_10 : i32
      %lt3A = vector.broadcast %min3A_409 : i32 to vector<64x1xi32>
      %lt3A_410 = arith.cmpi slt, %add3A_405, %lt3A : vector<64x1xi32>
      %and3A_411 = arith.andi %ge3A_406, %lt3A_410 : vector<64x1xi1>
      %convert_element_type3A_412 = arith.extui %and3A_411 : vector<64x1xi1> to vector<64x1xi32>
      %convert_element_type3A_413 = arith.sitofp %convert_element_type3A_412 : vector<64x1xi32> to vector<64x1xf32>
      %get3A_414 = arith.index_cast %multiple_of3A : i32 to index
      %get3A_415 = arith.constant 0 : index
      %get3A_416 = vector.load %arg3[%get3A_414, %get3A_415] : memref<2048x128xf32, #tpu.memory_space<vmem>>, vector<64x1xf32>
      %get3A_417 = arith.index_cast %multiple_of3A : i32 to index
      %get3A_418 = arith.constant 0 : index
      %get3A_419 = vector.load %arg7[%get3A_417, %get3A_418] : memref<2048x768xf32, #tpu.memory_space<vmem>>, vector<64x768xf32>
      %mul3A_420 = arith.mulf %get3A_416, %convert_element_type3A_413 : vector<64x1xf32>
      %mul3A_421 = vector.broadcast %mul3A_420 : vector<64x1xf32> to vector<64x768xf32>
      %mul3A_422 = arith.mulf %dot_general3A_403, %mul3A_421 : vector<64x768xf32>
      %add3A_423 = arith.addf %get3A_419, %mul3A_422 : vector<64x768xf32>
      %swap3A = arith.index_cast %multiple_of3A : i32 to index
      %swap3A_424 = arith.constant 0 : index
      %swap3A_425 = vector.load %arg7[%swap3A, %swap3A_424] : memref<2048x768xf32, #tpu.memory_space<vmem>>, vector<64x768xf32>
      tpu.vector_store %arg7[%swap3A, %swap3A_424], %add3A_423 {strides = array<i32>} : memref<2048x768xf32, #tpu.memory_space<vmem>>, vector<64x768xf32>,
      %while3A_426 = arith.constant 0 : i32
      scf.yield %while3A_426 : i32
    }
    %while3A_85 = arith.constant 1 : i32
    %while3A_86 = scf.for %while3A_378 = %while3A_82 to %while3A_78 step %while3A_85 iter_args(%while3A_379 = %while3A_84) -> (i32)  : i32 {
      %mul3A_380 = arith.constant 64 : i32
      %mul3A_381 = arith.muli %while3A_378, %mul3A_380 : i32
      %add3A_382 = arith.addi %mul3A_28, %mul3A_381 : i32
      %min3A = arith.constant 1984 : i32
      %min3A_383 = arith.minsi %add3A_382, %min3A : i32
      %multiple_of3A = tpu.assume_multiple %min3A_383, 8 : i32
      %get3A_384 = arith.index_cast %multiple_of3A : i32 to index
      %get3A_385 = arith.constant 0 : index
      %get3A_386 = vector.load %arg2[%get3A_384, %get3A_385] : memref<2048x768xf32, #tpu.memory_space<vmem>>, vector<64x768xf32>
      %convert_element_type3A_387 = arith.truncf %get3A_386 : vector<64x768xf32> to vector<64x768xbf16>
      %dot_general3A = arith.constant dense<0.000000e+00> : vector<64x256xf32>
      %dot_general3A_388 = tpu.matmul %convert_element_type3A_387, %convert_element_type3A_63, %dot_general3A {dimension_numbers = #tpu.dot_dimension_numbers<[1], [1], [0], [0], [0, 0, 1, 0], [], []>, transpose_lhs_hint = false} : vector<64x768xbf16>, vector<256x768xbf16>, vector<64x256xf32> -> vector<64x256xf32>
      %dot_general3A_389 = arith.constant dense<0.000000e+00> : vector<64x256xf32>
      %dot_general3A_390 = tpu.matmul %convert_element_type3A_387, %convert_element_type3A_69, %dot_general3A_389 {dimension_numbers = #tpu.dot_dimension_numbers<[1], [1], [0], [0], [0, 0, 1, 0], [], []>, transpose_lhs_hint = false} : vector<64x768xbf16>, vector<256x768xbf16>, vector<64x256xf32> -> vector<64x256xf32>
      %neg3A = arith.constant 0.000000e+00 : f32
      %neg3A_391 = vector.broadcast %neg3A : f32 to vector<64x256xf32>
      %neg3A_392 = arith.subf %neg3A_391, %dot_general3A_388 : vector<64x256xf32>
      %exp3A = math.exp %neg3A_392 : vector<64x256xf32>
      %add3A_393 = arith.constant 1.000000e+00 : f32
      %add3A_394 = vector.broadcast %add3A_393 : f32 to vector<64x256xf32>
      %add3A_395 = arith.addf %add3A_394, %exp3A : vector<64x256xf32>
      %div3A_396 = arith.constant 1.000000e+00 : f32
      %div3A_397 = vector.broadcast %div3A_396 : f32 to vector<64x256xf32>
      %div3A_398 = arith.divf %div3A_397, %add3A_395 : vector<64x256xf32>
      %mul3A_399 = arith.mulf %dot_general3A_388, %div3A_398 : vector<64x256xf32>
      %mul3A_400 = arith.mulf %mul3A_399, %dot_general3A_390 : vector<64x256xf32>
      %convert_element_type3A_401 = arith.truncf %mul3A_400 : vector<64x256xf32> to vector<64x256xbf16>
      %dot_general3A_402 = arith.constant dense<0.000000e+00> : vector<64x768xf32>
      %dot_general3A_403 = tpu.matmul %convert_element_type3A_401, %convert_element_type3A_75, %dot_general3A_402 {dimension_numbers = #tpu.dot_dimension_numbers<[1], [1], [0], [0], [0, 0, 1, 0], [], []>, transpose_lhs_hint = false} : vector<64x256xbf16>, vector<768x256xbf16>, vector<64x768xf32> -> vector<64x768xf32>
      %iota3A = tpu.iota {dimensions = array<i32: 0>} : vector<64x1xi32>
      %add3A_404 = vector.broadcast %multiple_of3A : i32 to vector<64x1xi32>
      %add3A_405 = arith.addi %add3A_404, %iota3A : vector<64x1xi32>
      %max3A = arith.maxsi %add3A_382, %get3A_5 : i32
      %ge3A = vector.broadcast %max3A : i32 to vector<64x1xi32>
      %ge3A_406 = arith.cmpi sge, %add3A_405, %ge3A : vector<64x1xi32>
      %add3A_407 = arith.constant 64 : i32
      %add3A_408 = arith.addi %add3A_382, %add3A_407 : i32
      %min3A_409 = arith.minsi %add3A_408, %get3A_10 : i32
      %lt3A = vector.broadcast %min3A_409 : i32 to vector<64x1xi32>
      %lt3A_410 = arith.cmpi slt, %add3A_405, %lt3A : vector<64x1xi32>
      %and3A_411 = arith.andi %ge3A_406, %lt3A_410 : vector<64x1xi1>
      %convert_element_type3A_412 = arith.extui %and3A_411 : vector<64x1xi1> to vector<64x1xi32>
      %convert_element_type3A_413 = arith.sitofp %convert_element_type3A_412 : vector<64x1xi32> to vector<64x1xf32>
      %get3A_414 = arith.index_cast %multiple_of3A : i32 to index
      %get3A_415 = arith.constant 0 : index
      %get3A_416 = vector.load %arg3[%get3A_414, %get3A_415] : memref<2048x128xf32, #tpu.memory_space<vmem>>, vector<64x1xf32>
      %get3A_417 = arith.index_cast %multiple_of3A : i32 to index
      %get3A_418 = arith.constant 0 : index
      %get3A_419 = vector.load %arg7[%get3A_417, %get3A_418] : memref<2048x768xf32, #tpu.memory_space<vmem>>, vector<64x768xf32>
      %mul3A_420 = arith.mulf %get3A_416, %convert_element_type3A_413 : vector<64x1xf32>
      %mul3A_421 = vector.broadcast %mul3A_420 : vector<64x1xf32> to vector<64x768xf32>
      %mul3A_422 = arith.mulf %dot_general3A_403, %mul3A_421 : vector<64x768xf32>
      %add3A_423 = arith.addf %get3A_419, %mul3A_422 : vector<64x768xf32>
      %swap3A = arith.index_cast %multiple_of3A : i32 to index
      %swap3A_424 = arith.constant 0 : index
      %swap3A_425 = vector.load %arg7[%swap3A, %swap3A_424] : memref<2048x768xf32, #tpu.memory_space<vmem>>, vector<64x768xf32>
      tpu.vector_store %arg7[%swap3A, %swap3A_424], %add3A_423 {strides = array<i32>} : memref<2048x768xf32, #tpu.memory_space<vmem>>, vector<64x768xf32>,
      %while3A_426 = arith.constant 0 : i32
      scf.yield %while3A_426 : i32
    }
    %mul3A_87 = arith.constant 4 : i32
    %mul3A_88 = arith.muli %arg0, %mul3A_87 : i32
    %add3A_89 = arith.constant 1 : i32
    %add3A_90 = arith.addi %mul3A_88, %add3A_89 : i32
    %get3A_91 = arith.constant 0 : index
    %get3A_92 = arith.index_cast %add3A_90 : i32 to index
    %get3A_93 = memref.load %arg1[%get3A_91, %get3A_92] : memref<1x80xi32, #tpu.memory_space<smem>>
    %add3A_94 = arith.constant 1 : i32
    %add3A_95 = arith.addi %add3A_90, %add3A_94 : i32
    %get3A_96 = arith.constant 0 : index
    %get3A_97 = arith.index_cast %add3A_95 : i32 to index
    %get3A_98 = memref.load %arg1[%get3A_96, %get3A_97] : memref<1x80xi32, #tpu.memory_space<smem>>
    %jit3A_99 = arith.constant 8 : i32
    %div3A_100 = arith.divsi %get3A_93, %jit3A_99 : i32
    %sign3A_101 = arith.constant 0 : i32
    %sign3A_102 = arith.cmpi sgt, %get3A_93, %sign3A_101 : i32
    %sign3A_103 = arith.extui %sign3A_102 : i1 to i32
    %sign3A_104 = arith.constant 0 : i32
    %sign3A_105 = arith.cmpi slt, %get3A_93, %sign3A_104 : i32
    %sign3A_106 = arith.extui %sign3A_105 : i1 to i32
    %sign3A_107 = arith.subi %sign3A_103, %sign3A_106 : i32
    %sign3A_108 = arith.constant 0 : i32
    %sign3A_109 = arith.cmpi sgt, %jit3A_99, %sign3A_108 : i32
    %sign3A_110 = arith.extui %sign3A_109 : i1 to i32
    %sign3A_111 = arith.constant 0 : i32
    %sign3A_112 = arith.cmpi slt, %jit3A_99, %sign3A_111 : i32
    %sign3A_113 = arith.extui %sign3A_112 : i1 to i32
    %sign3A_114 = arith.subi %sign3A_110, %sign3A_113 : i32
    %ne3A_115 = arith.cmpi ne, %sign3A_107, %sign3A_114 : i32
    %rem3A_116 = arith.remsi %get3A_93, %jit3A_99 : i32
    %ne3A_117 = arith.constant 0 : i32
    %ne3A_118 = arith.cmpi ne, %rem3A_116, %ne3A_117 : i32
    %and3A_119 = arith.andi %ne3A_115, %ne3A_118 : i1
    %sub3A_120 = arith.constant 1 : i32
    %sub3A_121 = arith.subi %div3A_100, %sub3A_120 : i32
    %select_n3A_122 = arith.select %and3A_119, %sub3A_121, %div3A_100 : i32
    %mul3A_123 = arith.constant 8 : i32
    %mul3A_124 = arith.muli %select_n3A_122, %mul3A_123 : i32
    %sub3A_125 = arith.subi %get3A_98, %mul3A_124 : i32
    %add3A_126 = arith.constant 64 : i32
    %add3A_127 = arith.addi %sub3A_125, %add3A_126 : i32
    %sub3A_128 = arith.constant 1 : i32
    %sub3A_129 = arith.subi %add3A_127, %sub3A_128 : i32
    %jit3A_130 = arith.constant 64 : i32
    %div3A_131 = arith.divsi %sub3A_129, %jit3A_130 : i32
    %sign3A_132 = arith.constant 0 : i32
    %sign3A_133 = arith.cmpi sgt, %sub3A_129, %sign3A_132 : i32
    %sign3A_134 = arith.extui %sign3A_133 : i1 to i32
    %sign3A_135 = arith.constant 0 : i32
    %sign3A_136 = arith.cmpi slt, %sub3A_129, %sign3A_135 : i32
    %sign3A_137 = arith.extui %sign3A_136 : i1 to i32
    %sign3A_138 = arith.subi %sign3A_134, %sign3A_137 : i32
    %sign3A_139 = arith.constant 0 : i32
    %sign3A_140 = arith.cmpi sgt, %jit3A_130, %sign3A_139 : i32
    %sign3A_141 = arith.extui %sign3A_140 : i1 to i32
    %sign3A_142 = arith.constant 0 : i32
    %sign3A_143 = arith.cmpi slt, %jit3A_130, %sign3A_142 : i32
    %sign3A_144 = arith.extui %sign3A_143 : i1 to i32
    %sign3A_145 = arith.subi %sign3A_141, %sign3A_144 : i32
    %ne3A_146 = arith.cmpi ne, %sign3A_138, %sign3A_145 : i32
    %rem3A_147 = arith.remsi %sub3A_129, %jit3A_130 : i32
    %ne3A_148 = arith.constant 0 : i32
    %ne3A_149 = arith.cmpi ne, %rem3A_147, %ne3A_148 : i32
    %and3A_150 = arith.andi %ne3A_146, %ne3A_149 : i1
    %sub3A_151 = arith.constant 1 : i32
    %sub3A_152 = arith.subi %div3A_131, %sub3A_151 : i32
    %select_n3A_153 = arith.select %and3A_150, %sub3A_152, %div3A_131 : i32
    %get3A_154 = arith.constant 1 : index
    %get3A_155 = arith.constant 0 : index
    %get3A_156 = arith.constant 0 : index
    %get3A_157 = vector.load %arg4[%get3A_154, %get3A_155, %get3A_156] : memref<4x256x768xf32, #tpu.memory_space<vmem>>, vector<1x256x768xf32>
    %get3A_158 = vector.shape_cast %get3A_157 : vector<1x256x768xf32> to vector<256x768xf32>
    %convert_element_type3A_159 = arith.truncf %get3A_158 : vector<256x768xf32> to vector<256x768xbf16>
    %get3A_160 = arith.constant 1 : index
    %get3A_161 = arith.constant 0 : index
    %get3A_162 = arith.constant 0 : index
    %get3A_163 = vector.load %arg5[%get3A_160, %get3A_161, %get3A_162] : memref<4x256x768xf32, #tpu.memory_space<vmem>>, vector<1x256x768xf32>
    %get3A_164 = vector.shape_cast %get3A_163 : vector<1x256x768xf32> to vector<256x768xf32>
    %convert_element_type3A_165 = arith.truncf %get3A_164 : vector<256x768xf32> to vector<256x768xbf16>
    %get3A_166 = arith.constant 1 : index
    %get3A_167 = arith.constant 0 : index
    %get3A_168 = arith.constant 0 : index
    %get3A_169 = vector.load %arg6[%get3A_166, %get3A_167, %get3A_168] : memref<4x768x256xf32, #tpu.memory_space<vmem>>, vector<1x768x256xf32>
    %get3A_170 = vector.shape_cast %get3A_169 : vector<1x768x256xf32> to vector<768x256xf32>
    %convert_element_type3A_171 = arith.truncf %get3A_170 : vector<768x256xf32> to vector<768x256xbf16>
    %while3A_172 = arith.constant 0 : i32
    %while3A_173 = arith.constant 0 : i32
    %while3A_174 = arith.subi %select_n3A_153, %while3A_172 : i32
    %while3A_175 = arith.addi %while3A_172, %while3A_174 : i32
    %while3A_176 = arith.constant 1 : i32
    %while3A_177 = arith.divsi %while3A_174, %while3A_176 : i32
    %while3A_178 = arith.muli %while3A_177, %while3A_176 : i32
    %while3A_179 = arith.addi %while3A_172, %while3A_178 : i32
    %while3A_180 = arith.constant 1 : i32
    %while3A_181 = scf.for %while3A_378 = %while3A_172 to %while3A_179 step %while3A_180 iter_args(%while3A_379 = %while3A_173) -> (i32)  : i32 {
      %mul3A_380 = arith.constant 64 : i32
      %mul3A_381 = arith.muli %while3A_378, %mul3A_380 : i32
      %add3A_382 = arith.addi %mul3A_124, %mul3A_381 : i32
      %min3A = arith.constant 1984 : i32
      %min3A_383 = arith.minsi %add3A_382, %min3A : i32
      %multiple_of3A = tpu.assume_multiple %min3A_383, 8 : i32
      %get3A_384 = arith.index_cast %multiple_of3A : i32 to index
      %get3A_385 = arith.constant 0 : index
      %get3A_386 = vector.load %arg2[%get3A_384, %get3A_385] : memref<2048x768xf32, #tpu.memory_space<vmem>>, vector<64x768xf32>
      %convert_element_type3A_387 = arith.truncf %get3A_386 : vector<64x768xf32> to vector<64x768xbf16>
      %dot_general3A = arith.constant dense<0.000000e+00> : vector<64x256xf32>
      %dot_general3A_388 = tpu.matmul %convert_element_type3A_387, %convert_element_type3A_159, %dot_general3A {dimension_numbers = #tpu.dot_dimension_numbers<[1], [1], [0], [0], [0, 0, 1, 0], [], []>, transpose_lhs_hint = false} : vector<64x768xbf16>, vector<256x768xbf16>, vector<64x256xf32> -> vector<64x256xf32>
      %dot_general3A_389 = arith.constant dense<0.000000e+00> : vector<64x256xf32>
      %dot_general3A_390 = tpu.matmul %convert_element_type3A_387, %convert_element_type3A_165, %dot_general3A_389 {dimension_numbers = #tpu.dot_dimension_numbers<[1], [1], [0], [0], [0, 0, 1, 0], [], []>, transpose_lhs_hint = false} : vector<64x768xbf16>, vector<256x768xbf16>, vector<64x256xf32> -> vector<64x256xf32>
      %neg3A = arith.constant 0.000000e+00 : f32
      %neg3A_391 = vector.broadcast %neg3A : f32 to vector<64x256xf32>
      %neg3A_392 = arith.subf %neg3A_391, %dot_general3A_388 : vector<64x256xf32>
      %exp3A = math.exp %neg3A_392 : vector<64x256xf32>
      %add3A_393 = arith.constant 1.000000e+00 : f32
      %add3A_394 = vector.broadcast %add3A_393 : f32 to vector<64x256xf32>
      %add3A_395 = arith.addf %add3A_394, %exp3A : vector<64x256xf32>
      %div3A_396 = arith.constant 1.000000e+00 : f32
      %div3A_397 = vector.broadcast %div3A_396 : f32 to vector<64x256xf32>
      %div3A_398 = arith.divf %div3A_397, %add3A_395 : vector<64x256xf32>
      %mul3A_399 = arith.mulf %dot_general3A_388, %div3A_398 : vector<64x256xf32>
      %mul3A_400 = arith.mulf %mul3A_399, %dot_general3A_390 : vector<64x256xf32>
      %convert_element_type3A_401 = arith.truncf %mul3A_400 : vector<64x256xf32> to vector<64x256xbf16>
      %dot_general3A_402 = arith.constant dense<0.000000e+00> : vector<64x768xf32>
      %dot_general3A_403 = tpu.matmul %convert_element_type3A_401, %convert_element_type3A_171, %dot_general3A_402 {dimension_numbers = #tpu.dot_dimension_numbers<[1], [1], [0], [0], [0, 0, 1, 0], [], []>, transpose_lhs_hint = false} : vector<64x256xbf16>, vector<768x256xbf16>, vector<64x768xf32> -> vector<64x768xf32>
      %iota3A = tpu.iota {dimensions = array<i32: 0>} : vector<64x1xi32>
      %add3A_404 = vector.broadcast %multiple_of3A : i32 to vector<64x1xi32>
      %add3A_405 = arith.addi %add3A_404, %iota3A : vector<64x1xi32>
      %max3A = arith.maxsi %add3A_382, %get3A_93 : i32
      %ge3A = vector.broadcast %max3A : i32 to vector<64x1xi32>
      %ge3A_406 = arith.cmpi sge, %add3A_405, %ge3A : vector<64x1xi32>
      %add3A_407 = arith.constant 64 : i32
      %add3A_408 = arith.addi %add3A_382, %add3A_407 : i32
      %min3A_409 = arith.minsi %add3A_408, %get3A_98 : i32
      %lt3A = vector.broadcast %min3A_409 : i32 to vector<64x1xi32>
      %lt3A_410 = arith.cmpi slt, %add3A_405, %lt3A : vector<64x1xi32>
      %and3A_411 = arith.andi %ge3A_406, %lt3A_410 : vector<64x1xi1>
      %convert_element_type3A_412 = arith.extui %and3A_411 : vector<64x1xi1> to vector<64x1xi32>
      %convert_element_type3A_413 = arith.sitofp %convert_element_type3A_412 : vector<64x1xi32> to vector<64x1xf32>
      %get3A_414 = arith.index_cast %multiple_of3A : i32 to index
      %get3A_415 = arith.constant 0 : index
      %get3A_416 = vector.load %arg3[%get3A_414, %get3A_415] : memref<2048x128xf32, #tpu.memory_space<vmem>>, vector<64x1xf32>
      %get3A_417 = arith.index_cast %multiple_of3A : i32 to index
      %get3A_418 = arith.constant 0 : index
      %get3A_419 = vector.load %arg7[%get3A_417, %get3A_418] : memref<2048x768xf32, #tpu.memory_space<vmem>>, vector<64x768xf32>
      %mul3A_420 = arith.mulf %get3A_416, %convert_element_type3A_413 : vector<64x1xf32>
      %mul3A_421 = vector.broadcast %mul3A_420 : vector<64x1xf32> to vector<64x768xf32>
      %mul3A_422 = arith.mulf %dot_general3A_403, %mul3A_421 : vector<64x768xf32>
      %add3A_423 = arith.addf %get3A_419, %mul3A_422 : vector<64x768xf32>
      %swap3A = arith.index_cast %multiple_of3A : i32 to index
      %swap3A_424 = arith.constant 0 : index
      %swap3A_425 = vector.load %arg7[%swap3A, %swap3A_424] : memref<2048x768xf32, #tpu.memory_space<vmem>>, vector<64x768xf32>
      tpu.vector_store %arg7[%swap3A, %swap3A_424], %add3A_423 {strides = array<i32>} : memref<2048x768xf32, #tpu.memory_space<vmem>>, vector<64x768xf32>,
      %while3A_426 = arith.constant 0 : i32
      scf.yield %while3A_426 : i32
    }
    %while3A_182 = arith.constant 1 : i32
    %while3A_183 = scf.for %while3A_378 = %while3A_179 to %while3A_175 step %while3A_182 iter_args(%while3A_379 = %while3A_181) -> (i32)  : i32 {
      %mul3A_380 = arith.constant 64 : i32
      %mul3A_381 = arith.muli %while3A_378, %mul3A_380 : i32
      %add3A_382 = arith.addi %mul3A_124, %mul3A_381 : i32
      %min3A = arith.constant 1984 : i32
      %min3A_383 = arith.minsi %add3A_382, %min3A : i32
      %multiple_of3A = tpu.assume_multiple %min3A_383, 8 : i32
      %get3A_384 = arith.index_cast %multiple_of3A : i32 to index
      %get3A_385 = arith.constant 0 : index
      %get3A_386 = vector.load %arg2[%get3A_384, %get3A_385] : memref<2048x768xf32, #tpu.memory_space<vmem>>, vector<64x768xf32>
      %convert_element_type3A_387 = arith.truncf %get3A_386 : vector<64x768xf32> to vector<64x768xbf16>
      %dot_general3A = arith.constant dense<0.000000e+00> : vector<64x256xf32>
      %dot_general3A_388 = tpu.matmul %convert_element_type3A_387, %convert_element_type3A_159, %dot_general3A {dimension_numbers = #tpu.dot_dimension_numbers<[1], [1], [0], [0], [0, 0, 1, 0], [], []>, transpose_lhs_hint = false} : vector<64x768xbf16>, vector<256x768xbf16>, vector<64x256xf32> -> vector<64x256xf32>
      %dot_general3A_389 = arith.constant dense<0.000000e+00> : vector<64x256xf32>
      %dot_general3A_390 = tpu.matmul %convert_element_type3A_387, %convert_element_type3A_165, %dot_general3A_389 {dimension_numbers = #tpu.dot_dimension_numbers<[1], [1], [0], [0], [0, 0, 1, 0], [], []>, transpose_lhs_hint = false} : vector<64x768xbf16>, vector<256x768xbf16>, vector<64x256xf32> -> vector<64x256xf32>
      %neg3A = arith.constant 0.000000e+00 : f32
      %neg3A_391 = vector.broadcast %neg3A : f32 to vector<64x256xf32>
      %neg3A_392 = arith.subf %neg3A_391, %dot_general3A_388 : vector<64x256xf32>
      %exp3A = math.exp %neg3A_392 : vector<64x256xf32>
      %add3A_393 = arith.constant 1.000000e+00 : f32
      %add3A_394 = vector.broadcast %add3A_393 : f32 to vector<64x256xf32>
      %add3A_395 = arith.addf %add3A_394, %exp3A : vector<64x256xf32>
      %div3A_396 = arith.constant 1.000000e+00 : f32
      %div3A_397 = vector.broadcast %div3A_396 : f32 to vector<64x256xf32>
      %div3A_398 = arith.divf %div3A_397, %add3A_395 : vector<64x256xf32>
      %mul3A_399 = arith.mulf %dot_general3A_388, %div3A_398 : vector<64x256xf32>
      %mul3A_400 = arith.mulf %mul3A_399, %dot_general3A_390 : vector<64x256xf32>
      %convert_element_type3A_401 = arith.truncf %mul3A_400 : vector<64x256xf32> to vector<64x256xbf16>
      %dot_general3A_402 = arith.constant dense<0.000000e+00> : vector<64x768xf32>
      %dot_general3A_403 = tpu.matmul %convert_element_type3A_401, %convert_element_type3A_171, %dot_general3A_402 {dimension_numbers = #tpu.dot_dimension_numbers<[1], [1], [0], [0], [0, 0, 1, 0], [], []>, transpose_lhs_hint = false} : vector<64x256xbf16>, vector<768x256xbf16>, vector<64x768xf32> -> vector<64x768xf32>
      %iota3A = tpu.iota {dimensions = array<i32: 0>} : vector<64x1xi32>
      %add3A_404 = vector.broadcast %multiple_of3A : i32 to vector<64x1xi32>
      %add3A_405 = arith.addi %add3A_404, %iota3A : vector<64x1xi32>
      %max3A = arith.maxsi %add3A_382, %get3A_93 : i32
      %ge3A = vector.broadcast %max3A : i32 to vector<64x1xi32>
      %ge3A_406 = arith.cmpi sge, %add3A_405, %ge3A : vector<64x1xi32>
      %add3A_407 = arith.constant 64 : i32
      %add3A_408 = arith.addi %add3A_382, %add3A_407 : i32
      %min3A_409 = arith.minsi %add3A_408, %get3A_98 : i32
      %lt3A = vector.broadcast %min3A_409 : i32 to vector<64x1xi32>
      %lt3A_410 = arith.cmpi slt, %add3A_405, %lt3A : vector<64x1xi32>
      %and3A_411 = arith.andi %ge3A_406, %lt3A_410 : vector<64x1xi1>
      %convert_element_type3A_412 = arith.extui %and3A_411 : vector<64x1xi1> to vector<64x1xi32>
      %convert_element_type3A_413 = arith.sitofp %convert_element_type3A_412 : vector<64x1xi32> to vector<64x1xf32>
      %get3A_414 = arith.index_cast %multiple_of3A : i32 to index
      %get3A_415 = arith.constant 0 : index
      %get3A_416 = vector.load %arg3[%get3A_414, %get3A_415] : memref<2048x128xf32, #tpu.memory_space<vmem>>, vector<64x1xf32>
      %get3A_417 = arith.index_cast %multiple_of3A : i32 to index
      %get3A_418 = arith.constant 0 : index
      %get3A_419 = vector.load %arg7[%get3A_417, %get3A_418] : memref<2048x768xf32, #tpu.memory_space<vmem>>, vector<64x768xf32>
      %mul3A_420 = arith.mulf %get3A_416, %convert_element_type3A_413 : vector<64x1xf32>
      %mul3A_421 = vector.broadcast %mul3A_420 : vector<64x1xf32> to vector<64x768xf32>
      %mul3A_422 = arith.mulf %dot_general3A_403, %mul3A_421 : vector<64x768xf32>
      %add3A_423 = arith.addf %get3A_419, %mul3A_422 : vector<64x768xf32>
      %swap3A = arith.index_cast %multiple_of3A : i32 to index
      %swap3A_424 = arith.constant 0 : index
      %swap3A_425 = vector.load %arg7[%swap3A, %swap3A_424] : memref<2048x768xf32, #tpu.memory_space<vmem>>, vector<64x768xf32>
      tpu.vector_store %arg7[%swap3A, %swap3A_424], %add3A_423 {strides = array<i32>} : memref<2048x768xf32, #tpu.memory_space<vmem>>, vector<64x768xf32>,
      %while3A_426 = arith.constant 0 : i32
      scf.yield %while3A_426 : i32
    }
    %mul3A_184 = arith.constant 4 : i32
    %mul3A_185 = arith.muli %arg0, %mul3A_184 : i32
    %add3A_186 = arith.constant 2 : i32
    %add3A_187 = arith.addi %mul3A_185, %add3A_186 : i32
    %get3A_188 = arith.constant 0 : index
    %get3A_189 = arith.index_cast %add3A_187 : i32 to index
    %get3A_190 = memref.load %arg1[%get3A_188, %get3A_189] : memref<1x80xi32, #tpu.memory_space<smem>>
    %add3A_191 = arith.constant 1 : i32
    %add3A_192 = arith.addi %add3A_187, %add3A_191 : i32
    %get3A_193 = arith.constant 0 : index
    %get3A_194 = arith.index_cast %add3A_192 : i32 to index
    %get3A_195 = memref.load %arg1[%get3A_193, %get3A_194] : memref<1x80xi32, #tpu.memory_space<smem>>
    %jit3A_196 = arith.constant 8 : i32
    %div3A_197 = arith.divsi %get3A_190, %jit3A_196 : i32
    %sign3A_198 = arith.constant 0 : i32
    %sign3A_199 = arith.cmpi sgt, %get3A_190, %sign3A_198 : i32
    %sign3A_200 = arith.extui %sign3A_199 : i1 to i32
    %sign3A_201 = arith.constant 0 : i32
    %sign3A_202 = arith.cmpi slt, %get3A_190, %sign3A_201 : i32
    %sign3A_203 = arith.extui %sign3A_202 : i1 to i32
    %sign3A_204 = arith.subi %sign3A_200, %sign3A_203 : i32
    %sign3A_205 = arith.constant 0 : i32
    %sign3A_206 = arith.cmpi sgt, %jit3A_196, %sign3A_205 : i32
    %sign3A_207 = arith.extui %sign3A_206 : i1 to i32
    %sign3A_208 = arith.constant 0 : i32
    %sign3A_209 = arith.cmpi slt, %jit3A_196, %sign3A_208 : i32
    %sign3A_210 = arith.extui %sign3A_209 : i1 to i32
    %sign3A_211 = arith.subi %sign3A_207, %sign3A_210 : i32
    %ne3A_212 = arith.cmpi ne, %sign3A_204, %sign3A_211 : i32
    %rem3A_213 = arith.remsi %get3A_190, %jit3A_196 : i32
    %ne3A_214 = arith.constant 0 : i32
    %ne3A_215 = arith.cmpi ne, %rem3A_213, %ne3A_214 : i32
    %and3A_216 = arith.andi %ne3A_212, %ne3A_215 : i1
    %sub3A_217 = arith.constant 1 : i32
    %sub3A_218 = arith.subi %div3A_197, %sub3A_217 : i32
    %select_n3A_219 = arith.select %and3A_216, %sub3A_218, %div3A_197 : i32
    %mul3A_220 = arith.constant 8 : i32
    %mul3A_221 = arith.muli %select_n3A_219, %mul3A_220 : i32
    %sub3A_222 = arith.subi %get3A_195, %mul3A_221 : i32
    %add3A_223 = arith.constant 64 : i32
    %add3A_224 = arith.addi %sub3A_222, %add3A_223 : i32
    %sub3A_225 = arith.constant 1 : i32
    %sub3A_226 = arith.subi %add3A_224, %sub3A_225 : i32
    %jit3A_227 = arith.constant 64 : i32
    %div3A_228 = arith.divsi %sub3A_226, %jit3A_227 : i32
    %sign3A_229 = arith.constant 0 : i32
    %sign3A_230 = arith.cmpi sgt, %sub3A_226, %sign3A_229 : i32
    %sign3A_231 = arith.extui %sign3A_230 : i1 to i32
    %sign3A_232 = arith.constant 0 : i32
    %sign3A_233 = arith.cmpi slt, %sub3A_226, %sign3A_232 : i32
    %sign3A_234 = arith.extui %sign3A_233 : i1 to i32
    %sign3A_235 = arith.subi %sign3A_231, %sign3A_234 : i32
    %sign3A_236 = arith.constant 0 : i32
    %sign3A_237 = arith.cmpi sgt, %jit3A_227, %sign3A_236 : i32
    %sign3A_238 = arith.extui %sign3A_237 : i1 to i32
    %sign3A_239 = arith.constant 0 : i32
    %sign3A_240 = arith.cmpi slt, %jit3A_227, %sign3A_239 : i32
    %sign3A_241 = arith.extui %sign3A_240 : i1 to i32
    %sign3A_242 = arith.subi %sign3A_238, %sign3A_241 : i32
    %ne3A_243 = arith.cmpi ne, %sign3A_235, %sign3A_242 : i32
    %rem3A_244 = arith.remsi %sub3A_226, %jit3A_227 : i32
    %ne3A_245 = arith.constant 0 : i32
    %ne3A_246 = arith.cmpi ne, %rem3A_244, %ne3A_245 : i32
    %and3A_247 = arith.andi %ne3A_243, %ne3A_246 : i1
    %sub3A_248 = arith.constant 1 : i32
    %sub3A_249 = arith.subi %div3A_228, %sub3A_248 : i32
    %select_n3A_250 = arith.select %and3A_247, %sub3A_249, %div3A_228 : i32
    %get3A_251 = arith.constant 2 : index
    %get3A_252 = arith.constant 0 : index
    %get3A_253 = arith.constant 0 : index
    %get3A_254 = vector.load %arg4[%get3A_251, %get3A_252, %get3A_253] : memref<4x256x768xf32, #tpu.memory_space<vmem>>, vector<1x256x768xf32>
    %get3A_255 = vector.shape_cast %get3A_254 : vector<1x256x768xf32> to vector<256x768xf32>
    %convert_element_type3A_256 = arith.truncf %get3A_255 : vector<256x768xf32> to vector<256x768xbf16>
    %get3A_257 = arith.constant 2 : index
    %get3A_258 = arith.constant 0 : index
    %get3A_259 = arith.constant 0 : index
    %get3A_260 = vector.load %arg5[%get3A_257, %get3A_258, %get3A_259] : memref<4x256x768xf32, #tpu.memory_space<vmem>>, vector<1x256x768xf32>
    %get3A_261 = vector.shape_cast %get3A_260 : vector<1x256x768xf32> to vector<256x768xf32>
    %convert_element_type3A_262 = arith.truncf %get3A_261 : vector<256x768xf32> to vector<256x768xbf16>
    %get3A_263 = arith.constant 2 : index
    %get3A_264 = arith.constant 0 : index
    %get3A_265 = arith.constant 0 : index
    %get3A_266 = vector.load %arg6[%get3A_263, %get3A_264, %get3A_265] : memref<4x768x256xf32, #tpu.memory_space<vmem>>, vector<1x768x256xf32>
    %get3A_267 = vector.shape_cast %get3A_266 : vector<1x768x256xf32> to vector<768x256xf32>
    %convert_element_type3A_268 = arith.truncf %get3A_267 : vector<768x256xf32> to vector<768x256xbf16>
    %while3A_269 = arith.constant 0 : i32
    %while3A_270 = arith.constant 0 : i32
    %while3A_271 = arith.subi %select_n3A_250, %while3A_269 : i32
    %while3A_272 = arith.addi %while3A_269, %while3A_271 : i32
    %while3A_273 = arith.constant 1 : i32
    %while3A_274 = arith.divsi %while3A_271, %while3A_273 : i32
    %while3A_275 = arith.muli %while3A_274, %while3A_273 : i32
    %while3A_276 = arith.addi %while3A_269, %while3A_275 : i32
    %while3A_277 = arith.constant 1 : i32
    %while3A_278 = scf.for %while3A_378 = %while3A_269 to %while3A_276 step %while3A_277 iter_args(%while3A_379 = %while3A_270) -> (i32)  : i32 {
      %mul3A_380 = arith.constant 64 : i32
      %mul3A_381 = arith.muli %while3A_378, %mul3A_380 : i32
      %add3A_382 = arith.addi %mul3A_221, %mul3A_381 : i32
      %min3A = arith.constant 1984 : i32
      %min3A_383 = arith.minsi %add3A_382, %min3A : i32
      %multiple_of3A = tpu.assume_multiple %min3A_383, 8 : i32
      %get3A_384 = arith.index_cast %multiple_of3A : i32 to index
      %get3A_385 = arith.constant 0 : index
      %get3A_386 = vector.load %arg2[%get3A_384, %get3A_385] : memref<2048x768xf32, #tpu.memory_space<vmem>>, vector<64x768xf32>
      %convert_element_type3A_387 = arith.truncf %get3A_386 : vector<64x768xf32> to vector<64x768xbf16>
      %dot_general3A = arith.constant dense<0.000000e+00> : vector<64x256xf32>
      %dot_general3A_388 = tpu.matmul %convert_element_type3A_387, %convert_element_type3A_256, %dot_general3A {dimension_numbers = #tpu.dot_dimension_numbers<[1], [1], [0], [0], [0, 0, 1, 0], [], []>, transpose_lhs_hint = false} : vector<64x768xbf16>, vector<256x768xbf16>, vector<64x256xf32> -> vector<64x256xf32>
      %dot_general3A_389 = arith.constant dense<0.000000e+00> : vector<64x256xf32>
      %dot_general3A_390 = tpu.matmul %convert_element_type3A_387, %convert_element_type3A_262, %dot_general3A_389 {dimension_numbers = #tpu.dot_dimension_numbers<[1], [1], [0], [0], [0, 0, 1, 0], [], []>, transpose_lhs_hint = false} : vector<64x768xbf16>, vector<256x768xbf16>, vector<64x256xf32> -> vector<64x256xf32>
      %neg3A = arith.constant 0.000000e+00 : f32
      %neg3A_391 = vector.broadcast %neg3A : f32 to vector<64x256xf32>
      %neg3A_392 = arith.subf %neg3A_391, %dot_general3A_388 : vector<64x256xf32>
      %exp3A = math.exp %neg3A_392 : vector<64x256xf32>
      %add3A_393 = arith.constant 1.000000e+00 : f32
      %add3A_394 = vector.broadcast %add3A_393 : f32 to vector<64x256xf32>
      %add3A_395 = arith.addf %add3A_394, %exp3A : vector<64x256xf32>
      %div3A_396 = arith.constant 1.000000e+00 : f32
      %div3A_397 = vector.broadcast %div3A_396 : f32 to vector<64x256xf32>
      %div3A_398 = arith.divf %div3A_397, %add3A_395 : vector<64x256xf32>
      %mul3A_399 = arith.mulf %dot_general3A_388, %div3A_398 : vector<64x256xf32>
      %mul3A_400 = arith.mulf %mul3A_399, %dot_general3A_390 : vector<64x256xf32>
      %convert_element_type3A_401 = arith.truncf %mul3A_400 : vector<64x256xf32> to vector<64x256xbf16>
      %dot_general3A_402 = arith.constant dense<0.000000e+00> : vector<64x768xf32>
      %dot_general3A_403 = tpu.matmul %convert_element_type3A_401, %convert_element_type3A_268, %dot_general3A_402 {dimension_numbers = #tpu.dot_dimension_numbers<[1], [1], [0], [0], [0, 0, 1, 0], [], []>, transpose_lhs_hint = false} : vector<64x256xbf16>, vector<768x256xbf16>, vector<64x768xf32> -> vector<64x768xf32>
      %iota3A = tpu.iota {dimensions = array<i32: 0>} : vector<64x1xi32>
      %add3A_404 = vector.broadcast %multiple_of3A : i32 to vector<64x1xi32>
      %add3A_405 = arith.addi %add3A_404, %iota3A : vector<64x1xi32>
      %max3A = arith.maxsi %add3A_382, %get3A_190 : i32
      %ge3A = vector.broadcast %max3A : i32 to vector<64x1xi32>
      %ge3A_406 = arith.cmpi sge, %add3A_405, %ge3A : vector<64x1xi32>
      %add3A_407 = arith.constant 64 : i32
      %add3A_408 = arith.addi %add3A_382, %add3A_407 : i32
      %min3A_409 = arith.minsi %add3A_408, %get3A_195 : i32
      %lt3A = vector.broadcast %min3A_409 : i32 to vector<64x1xi32>
      %lt3A_410 = arith.cmpi slt, %add3A_405, %lt3A : vector<64x1xi32>
      %and3A_411 = arith.andi %ge3A_406, %lt3A_410 : vector<64x1xi1>
      %convert_element_type3A_412 = arith.extui %and3A_411 : vector<64x1xi1> to vector<64x1xi32>
      %convert_element_type3A_413 = arith.sitofp %convert_element_type3A_412 : vector<64x1xi32> to vector<64x1xf32>
      %get3A_414 = arith.index_cast %multiple_of3A : i32 to index
      %get3A_415 = arith.constant 0 : index
      %get3A_416 = vector.load %arg3[%get3A_414, %get3A_415] : memref<2048x128xf32, #tpu.memory_space<vmem>>, vector<64x1xf32>
      %get3A_417 = arith.index_cast %multiple_of3A : i32 to index
      %get3A_418 = arith.constant 0 : index
      %get3A_419 = vector.load %arg7[%get3A_417, %get3A_418] : memref<2048x768xf32, #tpu.memory_space<vmem>>, vector<64x768xf32>
      %mul3A_420 = arith.mulf %get3A_416, %convert_element_type3A_413 : vector<64x1xf32>
      %mul3A_421 = vector.broadcast %mul3A_420 : vector<64x1xf32> to vector<64x768xf32>
      %mul3A_422 = arith.mulf %dot_general3A_403, %mul3A_421 : vector<64x768xf32>
      %add3A_423 = arith.addf %get3A_419, %mul3A_422 : vector<64x768xf32>
      %swap3A = arith.index_cast %multiple_of3A : i32 to index
      %swap3A_424 = arith.constant 0 : index
      %swap3A_425 = vector.load %arg7[%swap3A, %swap3A_424] : memref<2048x768xf32, #tpu.memory_space<vmem>>, vector<64x768xf32>
      tpu.vector_store %arg7[%swap3A, %swap3A_424], %add3A_423 {strides = array<i32>} : memref<2048x768xf32, #tpu.memory_space<vmem>>, vector<64x768xf32>,
      %while3A_426 = arith.constant 0 : i32
      scf.yield %while3A_426 : i32
    }
    %while3A_279 = arith.constant 1 : i32
    %while3A_280 = scf.for %while3A_378 = %while3A_276 to %while3A_272 step %while3A_279 iter_args(%while3A_379 = %while3A_278) -> (i32)  : i32 {
      %mul3A_380 = arith.constant 64 : i32
      %mul3A_381 = arith.muli %while3A_378, %mul3A_380 : i32
      %add3A_382 = arith.addi %mul3A_221, %mul3A_381 : i32
      %min3A = arith.constant 1984 : i32
      %min3A_383 = arith.minsi %add3A_382, %min3A : i32
      %multiple_of3A = tpu.assume_multiple %min3A_383, 8 : i32
      %get3A_384 = arith.index_cast %multiple_of3A : i32 to index
      %get3A_385 = arith.constant 0 : index
      %get3A_386 = vector.load %arg2[%get3A_384, %get3A_385] : memref<2048x768xf32, #tpu.memory_space<vmem>>, vector<64x768xf32>
      %convert_element_type3A_387 = arith.truncf %get3A_386 : vector<64x768xf32> to vector<64x768xbf16>
      %dot_general3A = arith.constant dense<0.000000e+00> : vector<64x256xf32>
      %dot_general3A_388 = tpu.matmul %convert_element_type3A_387, %convert_element_type3A_256, %dot_general3A {dimension_numbers = #tpu.dot_dimension_numbers<[1], [1], [0], [0], [0, 0, 1, 0], [], []>, transpose_lhs_hint = false} : vector<64x768xbf16>, vector<256x768xbf16>, vector<64x256xf32> -> vector<64x256xf32>
      %dot_general3A_389 = arith.constant dense<0.000000e+00> : vector<64x256xf32>
      %dot_general3A_390 = tpu.matmul %convert_element_type3A_387, %convert_element_type3A_262, %dot_general3A_389 {dimension_numbers = #tpu.dot_dimension_numbers<[1], [1], [0], [0], [0, 0, 1, 0], [], []>, transpose_lhs_hint = false} : vector<64x768xbf16>, vector<256x768xbf16>, vector<64x256xf32> -> vector<64x256xf32>
      %neg3A = arith.constant 0.000000e+00 : f32
      %neg3A_391 = vector.broadcast %neg3A : f32 to vector<64x256xf32>
      %neg3A_392 = arith.subf %neg3A_391, %dot_general3A_388 : vector<64x256xf32>
      %exp3A = math.exp %neg3A_392 : vector<64x256xf32>
      %add3A_393 = arith.constant 1.000000e+00 : f32
      %add3A_394 = vector.broadcast %add3A_393 : f32 to vector<64x256xf32>
      %add3A_395 = arith.addf %add3A_394, %exp3A : vector<64x256xf32>
      %div3A_396 = arith.constant 1.000000e+00 : f32
      %div3A_397 = vector.broadcast %div3A_396 : f32 to vector<64x256xf32>
      %div3A_398 = arith.divf %div3A_397, %add3A_395 : vector<64x256xf32>
      %mul3A_399 = arith.mulf %dot_general3A_388, %div3A_398 : vector<64x256xf32>
      %mul3A_400 = arith.mulf %mul3A_399, %dot_general3A_390 : vector<64x256xf32>
      %convert_element_type3A_401 = arith.truncf %mul3A_400 : vector<64x256xf32> to vector<64x256xbf16>
      %dot_general3A_402 = arith.constant dense<0.000000e+00> : vector<64x768xf32>
      %dot_general3A_403 = tpu.matmul %convert_element_type3A_401, %convert_element_type3A_268, %dot_general3A_402 {dimension_numbers = #tpu.dot_dimension_numbers<[1], [1], [0], [0], [0, 0, 1, 0], [], []>, transpose_lhs_hint = false} : vector<64x256xbf16>, vector<768x256xbf16>, vector<64x768xf32> -> vector<64x768xf32>
      %iota3A = tpu.iota {dimensions = array<i32: 0>} : vector<64x1xi32>
      %add3A_404 = vector.broadcast %multiple_of3A : i32 to vector<64x1xi32>
      %add3A_405 = arith.addi %add3A_404, %iota3A : vector<64x1xi32>
      %max3A = arith.maxsi %add3A_382, %get3A_190 : i32
      %ge3A = vector.broadcast %max3A : i32 to vector<64x1xi32>
      %ge3A_406 = arith.cmpi sge, %add3A_405, %ge3A : vector<64x1xi32>
      %add3A_407 = arith.constant 64 : i32
      %add3A_408 = arith.addi %add3A_382, %add3A_407 : i32
      %min3A_409 = arith.minsi %add3A_408, %get3A_195 : i32
      %lt3A = vector.broadcast %min3A_409 : i32 to vector<64x1xi32>
      %lt3A_410 = arith.cmpi slt, %add3A_405, %lt3A : vector<64x1xi32>
      %and3A_411 = arith.andi %ge3A_406, %lt3A_410 : vector<64x1xi1>
      %convert_element_type3A_412 = arith.extui %and3A_411 : vector<64x1xi1> to vector<64x1xi32>
      %convert_element_type3A_413 = arith.sitofp %convert_element_type3A_412 : vector<64x1xi32> to vector<64x1xf32>
      %get3A_414 = arith.index_cast %multiple_of3A : i32 to index
      %get3A_415 = arith.constant 0 : index
      %get3A_416 = vector.load %arg3[%get3A_414, %get3A_415] : memref<2048x128xf32, #tpu.memory_space<vmem>>, vector<64x1xf32>
      %get3A_417 = arith.index_cast %multiple_of3A : i32 to index
      %get3A_418 = arith.constant 0 : index
      %get3A_419 = vector.load %arg7[%get3A_417, %get3A_418] : memref<2048x768xf32, #tpu.memory_space<vmem>>, vector<64x768xf32>
      %mul3A_420 = arith.mulf %get3A_416, %convert_element_type3A_413 : vector<64x1xf32>
      %mul3A_421 = vector.broadcast %mul3A_420 : vector<64x1xf32> to vector<64x768xf32>
      %mul3A_422 = arith.mulf %dot_general3A_403, %mul3A_421 : vector<64x768xf32>
      %add3A_423 = arith.addf %get3A_419, %mul3A_422 : vector<64x768xf32>
      %swap3A = arith.index_cast %multiple_of3A : i32 to index
      %swap3A_424 = arith.constant 0 : index
      %swap3A_425 = vector.load %arg7[%swap3A, %swap3A_424] : memref<2048x768xf32, #tpu.memory_space<vmem>>, vector<64x768xf32>
      tpu.vector_store %arg7[%swap3A, %swap3A_424], %add3A_423 {strides = array<i32>} : memref<2048x768xf32, #tpu.memory_space<vmem>>, vector<64x768xf32>,
      %while3A_426 = arith.constant 0 : i32
      scf.yield %while3A_426 : i32
    }
    %mul3A_281 = arith.constant 4 : i32
    %mul3A_282 = arith.muli %arg0, %mul3A_281 : i32
    %add3A_283 = arith.constant 3 : i32
    %add3A_284 = arith.addi %mul3A_282, %add3A_283 : i32
    %get3A_285 = arith.constant 0 : index
    %get3A_286 = arith.index_cast %add3A_284 : i32 to index
    %get3A_287 = memref.load %arg1[%get3A_285, %get3A_286] : memref<1x80xi32, #tpu.memory_space<smem>>
    %add3A_288 = arith.constant 1 : i32
    %add3A_289 = arith.addi %add3A_284, %add3A_288 : i32
    %get3A_290 = arith.constant 0 : index
    %get3A_291 = arith.index_cast %add3A_289 : i32 to index
    %get3A_292 = memref.load %arg1[%get3A_290, %get3A_291] : memref<1x80xi32, #tpu.memory_space<smem>>
    %jit3A_293 = arith.constant 8 : i32
    %div3A_294 = arith.divsi %get3A_287, %jit3A_293 : i32
    %sign3A_295 = arith.constant 0 : i32
    %sign3A_296 = arith.cmpi sgt, %get3A_287, %sign3A_295 : i32
    %sign3A_297 = arith.extui %sign3A_296 : i1 to i32
    %sign3A_298 = arith.constant 0 : i32
    %sign3A_299 = arith.cmpi slt, %get3A_287, %sign3A_298 : i32
    %sign3A_300 = arith.extui %sign3A_299 : i1 to i32
    %sign3A_301 = arith.subi %sign3A_297, %sign3A_300 : i32
    %sign3A_302 = arith.constant 0 : i32
    %sign3A_303 = arith.cmpi sgt, %jit3A_293, %sign3A_302 : i32
    %sign3A_304 = arith.extui %sign3A_303 : i1 to i32
    %sign3A_305 = arith.constant 0 : i32
    %sign3A_306 = arith.cmpi slt, %jit3A_293, %sign3A_305 : i32
    %sign3A_307 = arith.extui %sign3A_306 : i1 to i32
    %sign3A_308 = arith.subi %sign3A_304, %sign3A_307 : i32
    %ne3A_309 = arith.cmpi ne, %sign3A_301, %sign3A_308 : i32
    %rem3A_310 = arith.remsi %get3A_287, %jit3A_293 : i32
    %ne3A_311 = arith.constant 0 : i32
    %ne3A_312 = arith.cmpi ne, %rem3A_310, %ne3A_311 : i32
    %and3A_313 = arith.andi %ne3A_309, %ne3A_312 : i1
    %sub3A_314 = arith.constant 1 : i32
    %sub3A_315 = arith.subi %div3A_294, %sub3A_314 : i32
    %select_n3A_316 = arith.select %and3A_313, %sub3A_315, %div3A_294 : i32
    %mul3A_317 = arith.constant 8 : i32
    %mul3A_318 = arith.muli %select_n3A_316, %mul3A_317 : i32
    %sub3A_319 = arith.subi %get3A_292, %mul3A_318 : i32
    %add3A_320 = arith.constant 64 : i32
    %add3A_321 = arith.addi %sub3A_319, %add3A_320 : i32
    %sub3A_322 = arith.constant 1 : i32
    %sub3A_323 = arith.subi %add3A_321, %sub3A_322 : i32
    %jit3A_324 = arith.constant 64 : i32
    %div3A_325 = arith.divsi %sub3A_323, %jit3A_324 : i32
    %sign3A_326 = arith.constant 0 : i32
    %sign3A_327 = arith.cmpi sgt, %sub3A_323, %sign3A_326 : i32
    %sign3A_328 = arith.extui %sign3A_327 : i1 to i32
    %sign3A_329 = arith.constant 0 : i32
    %sign3A_330 = arith.cmpi slt, %sub3A_323, %sign3A_329 : i32
    %sign3A_331 = arith.extui %sign3A_330 : i1 to i32
    %sign3A_332 = arith.subi %sign3A_328, %sign3A_331 : i32
    %sign3A_333 = arith.constant 0 : i32
    %sign3A_334 = arith.cmpi sgt, %jit3A_324, %sign3A_333 : i32
    %sign3A_335 = arith.extui %sign3A_334 : i1 to i32
    %sign3A_336 = arith.constant 0 : i32
    %sign3A_337 = arith.cmpi slt, %jit3A_324, %sign3A_336 : i32
    %sign3A_338 = arith.extui %sign3A_337 : i1 to i32
    %sign3A_339 = arith.subi %sign3A_335, %sign3A_338 : i32
    %ne3A_340 = arith.cmpi ne, %sign3A_332, %sign3A_339 : i32
    %rem3A_341 = arith.remsi %sub3A_323, %jit3A_324 : i32
    %ne3A_342 = arith.constant 0 : i32
    %ne3A_343 = arith.cmpi ne, %rem3A_341, %ne3A_342 : i32
    %and3A_344 = arith.andi %ne3A_340, %ne3A_343 : i1
    %sub3A_345 = arith.constant 1 : i32
    %sub3A_346 = arith.subi %div3A_325, %sub3A_345 : i32
    %select_n3A_347 = arith.select %and3A_344, %sub3A_346, %div3A_325 : i32
    %get3A_348 = arith.constant 3 : index
    %get3A_349 = arith.constant 0 : index
    %get3A_350 = arith.constant 0 : index
    %get3A_351 = vector.load %arg4[%get3A_348, %get3A_349, %get3A_350] : memref<4x256x768xf32, #tpu.memory_space<vmem>>, vector<1x256x768xf32>
    %get3A_352 = vector.shape_cast %get3A_351 : vector<1x256x768xf32> to vector<256x768xf32>
    %convert_element_type3A_353 = arith.truncf %get3A_352 : vector<256x768xf32> to vector<256x768xbf16>
    %get3A_354 = arith.constant 3 : index
    %get3A_355 = arith.constant 0 : index
    %get3A_356 = arith.constant 0 : index
    %get3A_357 = vector.load %arg5[%get3A_354, %get3A_355, %get3A_356] : memref<4x256x768xf32, #tpu.memory_space<vmem>>, vector<1x256x768xf32>
    %get3A_358 = vector.shape_cast %get3A_357 : vector<1x256x768xf32> to vector<256x768xf32>
    %convert_element_type3A_359 = arith.truncf %get3A_358 : vector<256x768xf32> to vector<256x768xbf16>
    %get3A_360 = arith.constant 3 : index
    %get3A_361 = arith.constant 0 : index
    %get3A_362 = arith.constant 0 : index
    %get3A_363 = vector.load %arg6[%get3A_360, %get3A_361, %get3A_362] : memref<4x768x256xf32, #tpu.memory_space<vmem>>, vector<1x768x256xf32>
    %get3A_364 = vector.shape_cast %get3A_363 : vector<1x768x256xf32> to vector<768x256xf32>
    %convert_element_type3A_365 = arith.truncf %get3A_364 : vector<768x256xf32> to vector<768x256xbf16>
    %while3A_366 = arith.constant 0 : i32
    %while3A_367 = arith.constant 0 : i32
    %while3A_368 = arith.subi %select_n3A_347, %while3A_366 : i32
    %while3A_369 = arith.addi %while3A_366, %while3A_368 : i32
    %while3A_370 = arith.constant 1 : i32
    %while3A_371 = arith.divsi %while3A_368, %while3A_370 : i32
    %while3A_372 = arith.muli %while3A_371, %while3A_370 : i32
    %while3A_373 = arith.addi %while3A_366, %while3A_372 : i32
    %while3A_374 = arith.constant 1 : i32
    %while3A_375 = scf.for %while3A_378 = %while3A_366 to %while3A_373 step %while3A_374 iter_args(%while3A_379 = %while3A_367) -> (i32)  : i32 {
      %mul3A_380 = arith.constant 64 : i32
      %mul3A_381 = arith.muli %while3A_378, %mul3A_380 : i32
      %add3A_382 = arith.addi %mul3A_318, %mul3A_381 : i32
      %min3A = arith.constant 1984 : i32
      %min3A_383 = arith.minsi %add3A_382, %min3A : i32
      %multiple_of3A = tpu.assume_multiple %min3A_383, 8 : i32
      %get3A_384 = arith.index_cast %multiple_of3A : i32 to index
      %get3A_385 = arith.constant 0 : index
      %get3A_386 = vector.load %arg2[%get3A_384, %get3A_385] : memref<2048x768xf32, #tpu.memory_space<vmem>>, vector<64x768xf32>
      %convert_element_type3A_387 = arith.truncf %get3A_386 : vector<64x768xf32> to vector<64x768xbf16>
      %dot_general3A = arith.constant dense<0.000000e+00> : vector<64x256xf32>
      %dot_general3A_388 = tpu.matmul %convert_element_type3A_387, %convert_element_type3A_353, %dot_general3A {dimension_numbers = #tpu.dot_dimension_numbers<[1], [1], [0], [0], [0, 0, 1, 0], [], []>, transpose_lhs_hint = false} : vector<64x768xbf16>, vector<256x768xbf16>, vector<64x256xf32> -> vector<64x256xf32>
      %dot_general3A_389 = arith.constant dense<0.000000e+00> : vector<64x256xf32>
      %dot_general3A_390 = tpu.matmul %convert_element_type3A_387, %convert_element_type3A_359, %dot_general3A_389 {dimension_numbers = #tpu.dot_dimension_numbers<[1], [1], [0], [0], [0, 0, 1, 0], [], []>, transpose_lhs_hint = false} : vector<64x768xbf16>, vector<256x768xbf16>, vector<64x256xf32> -> vector<64x256xf32>
      %neg3A = arith.constant 0.000000e+00 : f32
      %neg3A_391 = vector.broadcast %neg3A : f32 to vector<64x256xf32>
      %neg3A_392 = arith.subf %neg3A_391, %dot_general3A_388 : vector<64x256xf32>
      %exp3A = math.exp %neg3A_392 : vector<64x256xf32>
      %add3A_393 = arith.constant 1.000000e+00 : f32
      %add3A_394 = vector.broadcast %add3A_393 : f32 to vector<64x256xf32>
      %add3A_395 = arith.addf %add3A_394, %exp3A : vector<64x256xf32>
      %div3A_396 = arith.constant 1.000000e+00 : f32
      %div3A_397 = vector.broadcast %div3A_396 : f32 to vector<64x256xf32>
      %div3A_398 = arith.divf %div3A_397, %add3A_395 : vector<64x256xf32>
      %mul3A_399 = arith.mulf %dot_general3A_388, %div3A_398 : vector<64x256xf32>
      %mul3A_400 = arith.mulf %mul3A_399, %dot_general3A_390 : vector<64x256xf32>
      %convert_element_type3A_401 = arith.truncf %mul3A_400 : vector<64x256xf32> to vector<64x256xbf16>
      %dot_general3A_402 = arith.constant dense<0.000000e+00> : vector<64x768xf32>
      %dot_general3A_403 = tpu.matmul %convert_element_type3A_401, %convert_element_type3A_365, %dot_general3A_402 {dimension_numbers = #tpu.dot_dimension_numbers<[1], [1], [0], [0], [0, 0, 1, 0], [], []>, transpose_lhs_hint = false} : vector<64x256xbf16>, vector<768x256xbf16>, vector<64x768xf32> -> vector<64x768xf32>
      %iota3A = tpu.iota {dimensions = array<i32: 0>} : vector<64x1xi32>
      %add3A_404 = vector.broadcast %multiple_of3A : i32 to vector<64x1xi32>
      %add3A_405 = arith.addi %add3A_404, %iota3A : vector<64x1xi32>
      %max3A = arith.maxsi %add3A_382, %get3A_287 : i32
      %ge3A = vector.broadcast %max3A : i32 to vector<64x1xi32>
      %ge3A_406 = arith.cmpi sge, %add3A_405, %ge3A : vector<64x1xi32>
      %add3A_407 = arith.constant 64 : i32
      %add3A_408 = arith.addi %add3A_382, %add3A_407 : i32
      %min3A_409 = arith.minsi %add3A_408, %get3A_292 : i32
      %lt3A = vector.broadcast %min3A_409 : i32 to vector<64x1xi32>
      %lt3A_410 = arith.cmpi slt, %add3A_405, %lt3A : vector<64x1xi32>
      %and3A_411 = arith.andi %ge3A_406, %lt3A_410 : vector<64x1xi1>
      %convert_element_type3A_412 = arith.extui %and3A_411 : vector<64x1xi1> to vector<64x1xi32>
      %convert_element_type3A_413 = arith.sitofp %convert_element_type3A_412 : vector<64x1xi32> to vector<64x1xf32>
      %get3A_414 = arith.index_cast %multiple_of3A : i32 to index
      %get3A_415 = arith.constant 0 : index
      %get3A_416 = vector.load %arg3[%get3A_414, %get3A_415] : memref<2048x128xf32, #tpu.memory_space<vmem>>, vector<64x1xf32>
      %get3A_417 = arith.index_cast %multiple_of3A : i32 to index
      %get3A_418 = arith.constant 0 : index
      %get3A_419 = vector.load %arg7[%get3A_417, %get3A_418] : memref<2048x768xf32, #tpu.memory_space<vmem>>, vector<64x768xf32>
      %mul3A_420 = arith.mulf %get3A_416, %convert_element_type3A_413 : vector<64x1xf32>
      %mul3A_421 = vector.broadcast %mul3A_420 : vector<64x1xf32> to vector<64x768xf32>
      %mul3A_422 = arith.mulf %dot_general3A_403, %mul3A_421 : vector<64x768xf32>
      %add3A_423 = arith.addf %get3A_419, %mul3A_422 : vector<64x768xf32>
      %swap3A = arith.index_cast %multiple_of3A : i32 to index
      %swap3A_424 = arith.constant 0 : index
      %swap3A_425 = vector.load %arg7[%swap3A, %swap3A_424] : memref<2048x768xf32, #tpu.memory_space<vmem>>, vector<64x768xf32>
      tpu.vector_store %arg7[%swap3A, %swap3A_424], %add3A_423 {strides = array<i32>} : memref<2048x768xf32, #tpu.memory_space<vmem>>, vector<64x768xf32>,
      %while3A_426 = arith.constant 0 : i32
      scf.yield %while3A_426 : i32
    }
    %while3A_376 = arith.constant 1 : i32
    %while3A_377 = scf.for %while3A_378 = %while3A_373 to %while3A_369 step %while3A_376 iter_args(%while3A_379 = %while3A_375) -> (i32)  : i32 {
      %mul3A_380 = arith.constant 64 : i32
      %mul3A_381 = arith.muli %while3A_378, %mul3A_380 : i32
      %add3A_382 = arith.addi %mul3A_318, %mul3A_381 : i32
      %min3A = arith.constant 1984 : i32
      %min3A_383 = arith.minsi %add3A_382, %min3A : i32
      %multiple_of3A = tpu.assume_multiple %min3A_383, 8 : i32
      %get3A_384 = arith.index_cast %multiple_of3A : i32 to index
      %get3A_385 = arith.constant 0 : index
      %get3A_386 = vector.load %arg2[%get3A_384, %get3A_385] : memref<2048x768xf32, #tpu.memory_space<vmem>>, vector<64x768xf32>
      %convert_element_type3A_387 = arith.truncf %get3A_386 : vector<64x768xf32> to vector<64x768xbf16>
      %dot_general3A = arith.constant dense<0.000000e+00> : vector<64x256xf32>
      %dot_general3A_388 = tpu.matmul %convert_element_type3A_387, %convert_element_type3A_353, %dot_general3A {dimension_numbers = #tpu.dot_dimension_numbers<[1], [1], [0], [0], [0, 0, 1, 0], [], []>, transpose_lhs_hint = false} : vector<64x768xbf16>, vector<256x768xbf16>, vector<64x256xf32> -> vector<64x256xf32>
      %dot_general3A_389 = arith.constant dense<0.000000e+00> : vector<64x256xf32>
      %dot_general3A_390 = tpu.matmul %convert_element_type3A_387, %convert_element_type3A_359, %dot_general3A_389 {dimension_numbers = #tpu.dot_dimension_numbers<[1], [1], [0], [0], [0, 0, 1, 0], [], []>, transpose_lhs_hint = false} : vector<64x768xbf16>, vector<256x768xbf16>, vector<64x256xf32> -> vector<64x256xf32>
      %neg3A = arith.constant 0.000000e+00 : f32
      %neg3A_391 = vector.broadcast %neg3A : f32 to vector<64x256xf32>
      %neg3A_392 = arith.subf %neg3A_391, %dot_general3A_388 : vector<64x256xf32>
      %exp3A = math.exp %neg3A_392 : vector<64x256xf32>
      %add3A_393 = arith.constant 1.000000e+00 : f32
      %add3A_394 = vector.broadcast %add3A_393 : f32 to vector<64x256xf32>
      %add3A_395 = arith.addf %add3A_394, %exp3A : vector<64x256xf32>
      %div3A_396 = arith.constant 1.000000e+00 : f32
      %div3A_397 = vector.broadcast %div3A_396 : f32 to vector<64x256xf32>
      %div3A_398 = arith.divf %div3A_397, %add3A_395 : vector<64x256xf32>
      %mul3A_399 = arith.mulf %dot_general3A_388, %div3A_398 : vector<64x256xf32>
      %mul3A_400 = arith.mulf %mul3A_399, %dot_general3A_390 : vector<64x256xf32>
      %convert_element_type3A_401 = arith.truncf %mul3A_400 : vector<64x256xf32> to vector<64x256xbf16>
      %dot_general3A_402 = arith.constant dense<0.000000e+00> : vector<64x768xf32>
      %dot_general3A_403 = tpu.matmul %convert_element_type3A_401, %convert_element_type3A_365, %dot_general3A_402 {dimension_numbers = #tpu.dot_dimension_numbers<[1], [1], [0], [0], [0, 0, 1, 0], [], []>, transpose_lhs_hint = false} : vector<64x256xbf16>, vector<768x256xbf16>, vector<64x768xf32> -> vector<64x768xf32>
      %iota3A = tpu.iota {dimensions = array<i32: 0>} : vector<64x1xi32>
      %add3A_404 = vector.broadcast %multiple_of3A : i32 to vector<64x1xi32>
      %add3A_405 = arith.addi %add3A_404, %iota3A : vector<64x1xi32>
      %max3A = arith.maxsi %add3A_382, %get3A_287 : i32
      %ge3A = vector.broadcast %max3A : i32 to vector<64x1xi32>
      %ge3A_406 = arith.cmpi sge, %add3A_405, %ge3A : vector<64x1xi32>
      %add3A_407 = arith.constant 64 : i32
      %add3A_408 = arith.addi %add3A_382, %add3A_407 : i32
      %min3A_409 = arith.minsi %add3A_408, %get3A_292 : i32
      %lt3A = vector.broadcast %min3A_409 : i32 to vector<64x1xi32>
      %lt3A_410 = arith.cmpi slt, %add3A_405, %lt3A : vector<64x1xi32>
      %and3A_411 = arith.andi %ge3A_406, %lt3A_410 : vector<64x1xi1>
      %convert_element_type3A_412 = arith.extui %and3A_411 : vector<64x1xi1> to vector<64x1xi32>
      %convert_element_type3A_413 = arith.sitofp %convert_element_type3A_412 : vector<64x1xi32> to vector<64x1xf32>
      %get3A_414 = arith.index_cast %multiple_of3A : i32 to index
      %get3A_415 = arith.constant 0 : index
      %get3A_416 = vector.load %arg3[%get3A_414, %get3A_415] : memref<2048x128xf32, #tpu.memory_space<vmem>>, vector<64x1xf32>
      %get3A_417 = arith.index_cast %multiple_of3A : i32 to index
      %get3A_418 = arith.constant 0 : index
      %get3A_419 = vector.load %arg7[%get3A_417, %get3A_418] : memref<2048x768xf32, #tpu.memory_space<vmem>>, vector<64x768xf32>
      %mul3A_420 = arith.mulf %get3A_416, %convert_element_type3A_413 : vector<64x1xf32>
      %mul3A_421 = vector.broadcast %mul3A_420 : vector<64x1xf32> to vector<64x768xf32>
      %mul3A_422 = arith.mulf %dot_general3A_403, %mul3A_421 : vector<64x768xf32>
      %add3A_423 = arith.addf %get3A_419, %mul3A_422 : vector<64x768xf32>
      %swap3A = arith.index_cast %multiple_of3A : i32 to index
      %swap3A_424 = arith.constant 0 : index
      %swap3A_425 = vector.load %arg7[%swap3A, %swap3A_424] : memref<2048x768xf32, #tpu.memory_space<vmem>>, vector<64x768xf32>
      tpu.vector_store %arg7[%swap3A, %swap3A_424], %add3A_423 {strides = array<i32>} : memref<2048x768xf32, #tpu.memory_space<vmem>>, vector<64x768xf32>,
      %while3A_426 = arith.constant 0 : i32
      scf.yield %while3A_426 : i32
    }
    return
  }
  func.func @transform_0(%arg0: i32) -> (i32, i32) {
    %c0_i32 = arith.constant 0 : i32
    %c0_i32_0 = arith.constant 0 : i32
    %c0_i32_1 = arith.constant 0 : i32
    return %c0_i32, %c0_i32_0 : i32, i32
  }
  func.func @transform_1(%arg0: i32) -> (i32, i32) {
    %c0_i32 = arith.constant 0 : i32
    %c0_i32_0 = arith.constant 0 : i32
    %c0_i32_1 = arith.constant 0 : i32
    return %c0_i32, %c0_i32_0 : i32, i32
  }
  func.func @transform_2(%arg0: i32) -> (i32, i32) {
    %c0_i32 = arith.constant 0 : i32
    %c0_i32_0 = arith.constant 0 : i32
    %c0_i32_1 = arith.constant 0 : i32
    return %c0_i32, %c0_i32_0 : i32, i32
  }
  func.func @transform_3(%arg0: i32) -> (i32, i32, i32) {
    %c0_i32 = arith.constant 0 : i32
    %c0_i32_0 = arith.constant 0 : i32
    %c0_i32_1 = arith.constant 0 : i32
    return %arg0, %c0_i32, %c0_i32_0 : i32, i32, i32
  }
  func.func @transform_4(%arg0: i32) -> (i32, i32, i32) {
    %c0_i32 = arith.constant 0 : i32
    %c0_i32_0 = arith.constant 0 : i32
    %c0_i32_1 = arith.constant 0 : i32
    return %arg0, %c0_i32, %c0_i32_0 : i32, i32, i32
  }
  func.func @transform_5(%arg0: i32) -> (i32, i32, i32) {
    %c0_i32 = arith.constant 0 : i32
    %c0_i32_0 = arith.constant 0 : i32
    %c0_i32_1 = arith.constant 0 : i32
    return %arg0, %c0_i32, %c0_i32_0 : i32, i32, i32
  }
  func.func @transform_6(%arg0: i32) -> (i32, i32) {
    %c0_i32 = arith.constant 0 : i32
    %c0_i32_0 = arith.constant 0 : i32
    %c0_i32_1 = arith.constant 0 : i32
    return %c0_i32, %c0_i32_0 : i32, i32
  }
}

module attributes {stable_mosaic.version = 14 : i64} {
  func.func @_router_body(%arg0: memref<2048x768xf32, #tpu.memory_space<vmem>>, %arg1: memref<64x768xf32, #tpu.memory_space<vmem>>, %arg2: memref<2048x64xf32, #tpu.memory_space<vmem>>, %arg3: memref<2048x1xi32, #tpu.memory_space<vmem>>, %arg4: memref<2048x128xf32, #tpu.memory_space<vmem>>, %arg5: memref<1x80xi32, #tpu.memory_space<vmem>>) attributes {dimension_semantics = [], scalar_prefetch = 0 : i64, scratch_operands = 0 : i64, tpu.core_type = #tpu.core_type<tc>} {
    %get3A = arith.constant 0 : index
    %get3A_0 = arith.constant 0 : index
    %get3A_1 = vector.load %arg0[%get3A, %get3A_0] : memref<2048x768xf32, #tpu.memory_space<vmem>>, vector<2048x768xf32>
    %get3A_2 = arith.constant 0 : index
    %get3A_3 = arith.constant 0 : index
    %get3A_4 = vector.load %arg1[%get3A_2, %get3A_3] : memref<64x768xf32, #tpu.memory_space<vmem>>, vector<64x768xf32>
    %dot_general3A = arith.constant dense<0.000000e+00> : vector<2048x64xf32>
    %dot_general3A_5 = tpu.matmul %get3A_1, %get3A_4, %dot_general3A {dimension_numbers = #tpu.dot_dimension_numbers<[1], [1], [0], [0], [0, 0, 1, 0], [], []>, transpose_lhs_hint = false} : vector<2048x768xf32>, vector<64x768xf32>, vector<2048x64xf32> -> vector<2048x64xf32>
    %swap3A = arith.constant 0 : index
    %swap3A_6 = arith.constant 0 : index
    %swap3A_7 = vector.load %arg2[%swap3A, %swap3A_6] : memref<2048x64xf32, #tpu.memory_space<vmem>>, vector<2048x64xf32>
    tpu.vector_store %arg2[%swap3A, %swap3A_6], %dot_general3A_5 {strides = array<i32>} : memref<2048x64xf32, #tpu.memory_space<vmem>>, vector<2048x64xf32>,
    %reduce_max3A = arith.constant dense<0xFF800000> : vector<2048xf32>
    %reduce_max3A_8 = vector.multi_reduction <maximumf>, %dot_general3A_5, %reduce_max3A [1] : vector<2048x64xf32> to vector<2048xf32>
    %broadcast_in_dim3A = vector.shape_cast %reduce_max3A_8 : vector<2048xf32> to vector<2048x1xf32>
    %sub3A = vector.broadcast %broadcast_in_dim3A : vector<2048x1xf32> to vector<2048x64xf32>
    %sub3A_9 = arith.subf %dot_general3A_5, %sub3A : vector<2048x64xf32>
    %exp3A = math.exp %sub3A_9 : vector<2048x64xf32>
    %reduce_sum3A = arith.constant dense<0.000000e+00> : vector<2048xf32>
    %reduce_sum3A_10 = vector.multi_reduction <add>, %exp3A, %reduce_sum3A [1] : vector<2048x64xf32> to vector<2048xf32>
    %broadcast_in_dim3A_11 = vector.shape_cast %reduce_sum3A_10 : vector<2048xf32> to vector<2048x1xf32>
    %div3A = arith.constant 1.000000e+00 : f32
    %div3A_12 = vector.broadcast %div3A : f32 to vector<2048x1xf32>
    %div3A_13 = arith.divf %div3A_12, %broadcast_in_dim3A_11 : vector<2048x1xf32>
    %broadcast_in_dim3A_14 = vector.shape_cast %div3A_13 : vector<2048x1xf32> to vector<2048x1xf32>
    %broadcast_in_dim3A_15 = vector.broadcast %broadcast_in_dim3A_14 : vector<2048x1xf32> to vector<2048x128xf32>
    %swap3A_16 = arith.constant 0 : index
    %swap3A_17 = arith.constant 0 : index
    %swap3A_18 = vector.load %arg4[%swap3A_16, %swap3A_17] : memref<2048x128xf32, #tpu.memory_space<vmem>>, vector<2048x128xf32>
    tpu.vector_store %arg4[%swap3A_16, %swap3A_17], %broadcast_in_dim3A_15 {strides = array<i32>} : memref<2048x128xf32, #tpu.memory_space<vmem>>, vector<2048x128xf32>,
    %iota3A = tpu.iota {dimensions = array<i32: 1>} : vector<2048x64xi32>
    %eq3A = vector.broadcast %broadcast_in_dim3A : vector<2048x1xf32> to vector<2048x64xf32>
    %eq3A_19 = arith.cmpf oeq, %dot_general3A_5, %eq3A : vector<2048x64xf32>
    %jit3A = arith.constant 64 : i32
    %broadcast_in_dim3A_20 = vector.broadcast %jit3A : i32 to vector<2048x64xi32>
    %select_n3A = arith.select %eq3A_19, %iota3A, %broadcast_in_dim3A_20 : vector<2048x64xi1>, vector<2048x64xi32>
    %reduce_min3A = arith.constant dense<2147483647> : vector<2048xi32>
    %reduce_min3A_21 = vector.multi_reduction <minsi>, %select_n3A, %reduce_min3A [1] : vector<2048x64xi32> to vector<2048xi32>
    %broadcast_in_dim3A_22 = vector.shape_cast %reduce_min3A_21 : vector<2048xi32> to vector<2048x1xi32>
    %eq3A_23 = vector.broadcast %broadcast_in_dim3A_22 : vector<2048x1xi32> to vector<2048x64xi32>
    %eq3A_24 = arith.cmpi eq, %iota3A, %eq3A_23 : vector<2048x64xi32>
    %convert_element_type3A = arith.extui %eq3A_24 : vector<2048x64xi1> to vector<2048x64xi32>
    %convert_element_type3A_25 = arith.sitofp %convert_element_type3A : vector<2048x64xi32> to vector<2048x64xf32>
    %convert_element_type3A_26 = arith.truncf %convert_element_type3A_25 : vector<2048x64xf32> to vector<2048x64xbf16>
    %convert_element_type3A_27 = arith.extf %convert_element_type3A_26 : vector<2048x64xbf16> to vector<2048x64xf32>
    %reduce_sum3A_28 = arith.constant dense<0.000000e+00> : vector<64xf32>
    %reduce_sum3A_29 = vector.multi_reduction <add>, %convert_element_type3A_27, %reduce_sum3A_28 [0] : vector<2048x64xf32> to vector<64xf32>
    %broadcast_in_dim3A_30 = vector.shape_cast %reduce_sum3A_29 : vector<64xf32> to vector<1x64xf32>
    %iota3A_31 = tpu.iota {dimensions = array<i32: 0>} : vector<64x64xi32>
    %iota3A_32 = tpu.iota {dimensions = array<i32: 1>} : vector<64x64xi32>
    %lt3A = arith.cmpi slt, %iota3A_31, %iota3A_32 : vector<64x64xi32>
    %convert_element_type3A_33 = arith.extui %lt3A : vector<64x64xi1> to vector<64x64xi32>
    %convert_element_type3A_34 = arith.sitofp %convert_element_type3A_33 : vector<64x64xi32> to vector<64x64xf32>
    %dot_general3A_35 = arith.constant dense<0.000000e+00> : vector<1x64xf32>
    %dot_general3A_36 = tpu.matmul %broadcast_in_dim3A_30, %convert_element_type3A_34, %dot_general3A_35 {dimension_numbers = #tpu.dot_dimension_numbers<[1], [0], [0], [1], [0, 0, 1, 1], [], []>, transpose_lhs_hint = false} : vector<1x64xf32>, vector<64x64xf32>, vector<1x64xf32> -> vector<1x64xf32>
    %iota3A_37 = tpu.iota {dimensions = array<i32: 0>} : vector<256x256xi32>
    %iota3A_38 = tpu.iota {dimensions = array<i32: 1>} : vector<256x256xi32>
    %lt3A_39 = arith.cmpi slt, %iota3A_38, %iota3A_37 : vector<256x256xi32>
    %convert_element_type3A_40 = arith.extui %lt3A_39 : vector<256x256xi1> to vector<256x256xi32>
    %convert_element_type3A_41 = arith.sitofp %convert_element_type3A_40 : vector<256x256xi32> to vector<256x256xf32>
    %convert_element_type3A_42 = arith.truncf %convert_element_type3A_41 : vector<256x256xf32> to vector<256x256xbf16>
    %iota3A_43 = tpu.iota {dimensions = array<i32: 0>} : vector<8x2048xi32>
    %iota3A_44 = tpu.iota {dimensions = array<i32: 1>} : vector<8x2048xi32>
    %jit3A_45 = arith.constant 256 : i32
    %div3A_46 = vector.broadcast %jit3A_45 : i32 to vector<8x2048xi32>
    %div3A_47 = arith.divsi %iota3A_44, %div3A_46 : vector<8x2048xi32>
    %sign3A = arith.constant 0 : i32
    %sign3A_48 = vector.broadcast %sign3A : i32 to vector<8x2048xi32>
    %sign3A_49 = arith.cmpi sgt, %iota3A_44, %sign3A_48 : vector<8x2048xi32>
    %sign3A_50 = arith.extui %sign3A_49 : vector<8x2048xi1> to vector<8x2048xi32>
    %sign3A_51 = arith.constant 0 : i32
    %sign3A_52 = vector.broadcast %sign3A_51 : i32 to vector<8x2048xi32>
    %sign3A_53 = arith.cmpi slt, %iota3A_44, %sign3A_52 : vector<8x2048xi32>
    %sign3A_54 = arith.extui %sign3A_53 : vector<8x2048xi1> to vector<8x2048xi32>
    %sign3A_55 = arith.subi %sign3A_50, %sign3A_54 : vector<8x2048xi32>
    %sign3A_56 = arith.constant 0 : i32
    %sign3A_57 = arith.cmpi sgt, %jit3A_45, %sign3A_56 : i32
    %sign3A_58 = arith.extui %sign3A_57 : i1 to i32
    %sign3A_59 = arith.constant 0 : i32
    %sign3A_60 = arith.cmpi slt, %jit3A_45, %sign3A_59 : i32
    %sign3A_61 = arith.extui %sign3A_60 : i1 to i32
    %sign3A_62 = arith.subi %sign3A_58, %sign3A_61 : i32
    %ne3A = vector.broadcast %sign3A_62 : i32 to vector<8x2048xi32>
    %ne3A_63 = arith.cmpi ne, %sign3A_55, %ne3A : vector<8x2048xi32>
    %rem3A = vector.broadcast %jit3A_45 : i32 to vector<8x2048xi32>
    %rem3A_64 = arith.remsi %iota3A_44, %rem3A : vector<8x2048xi32>
    %ne3A_65 = arith.constant 0 : i32
    %ne3A_66 = vector.broadcast %ne3A_65 : i32 to vector<8x2048xi32>
    %ne3A_67 = arith.cmpi ne, %rem3A_64, %ne3A_66 : vector<8x2048xi32>
    %and3A = arith.andi %ne3A_63, %ne3A_67 : vector<8x2048xi1>
    %sub3A_68 = arith.constant 1 : i32
    %sub3A_69 = vector.broadcast %sub3A_68 : i32 to vector<8x2048xi32>
    %sub3A_70 = arith.subi %div3A_47, %sub3A_69 : vector<8x2048xi32>
    %select_n3A_71 = arith.select %and3A, %sub3A_70, %div3A_47 : vector<8x2048xi1>, vector<8x2048xi32>
    %eq3A_72 = arith.cmpi eq, %iota3A_43, %select_n3A_71 : vector<8x2048xi32>
    %convert_element_type3A_73 = arith.extui %eq3A_72 : vector<8x2048xi1> to vector<8x2048xi32>
    %convert_element_type3A_74 = arith.sitofp %convert_element_type3A_73 : vector<8x2048xi32> to vector<8x2048xf32>
    %convert_element_type3A_75 = arith.truncf %convert_element_type3A_74 : vector<8x2048xf32> to vector<8x2048xbf16>
    %dot_general3A_76 = arith.constant dense<0.000000e+00> : vector<8x64xf32>
    %dot_general3A_77 = tpu.matmul %convert_element_type3A_75, %convert_element_type3A_26, %dot_general3A_76 {dimension_numbers = #tpu.dot_dimension_numbers<[1], [0], [0], [1], [0, 0, 1, 1], [], []>, transpose_lhs_hint = false} : vector<8x2048xbf16>, vector<2048x64xbf16>, vector<8x64xf32> -> vector<8x64xf32>
    %iota3A_78 = tpu.iota {dimensions = array<i32: 0>} : vector<8x8xi32>
    %iota3A_79 = tpu.iota {dimensions = array<i32: 1>} : vector<8x8xi32>
    %lt3A_80 = arith.cmpi slt, %iota3A_79, %iota3A_78 : vector<8x8xi32>
    %convert_element_type3A_81 = arith.extui %lt3A_80 : vector<8x8xi1> to vector<8x8xi32>
    %convert_element_type3A_82 = arith.sitofp %convert_element_type3A_81 : vector<8x8xi32> to vector<8x8xf32>
    %dot_general3A_83 = arith.constant dense<0.000000e+00> : vector<8x64xf32>
    %dot_general3A_84 = tpu.matmul %convert_element_type3A_82, %dot_general3A_77, %dot_general3A_83 {dimension_numbers = #tpu.dot_dimension_numbers<[1], [0], [0], [1], [0, 0, 1, 1], [], []>, transpose_lhs_hint = false} : vector<8x8xf32>, vector<8x64xf32>, vector<8x64xf32> -> vector<8x64xf32>
    %slice3A = vector.extract_strided_slice %convert_element_type3A_26 {offsets = [0, 0], sizes = [256, 64], strides = [1, 1]} : vector<2048x64xbf16> to vector<256x64xbf16>
    %dot_general3A_85 = arith.constant dense<0.000000e+00> : vector<256x64xf32>
    %dot_general3A_86 = tpu.matmul %convert_element_type3A_42, %slice3A, %dot_general3A_85 {dimension_numbers = #tpu.dot_dimension_numbers<[1], [0], [0], [1], [0, 0, 1, 1], [], []>, transpose_lhs_hint = false} : vector<256x256xbf16>, vector<256x64xbf16>, vector<256x64xf32> -> vector<256x64xf32>
    %slice3A_87 = vector.extract_strided_slice %dot_general3A_84 {offsets = [0, 0], sizes = [1, 64], strides = [1, 1]} : vector<8x64xf32> to vector<1x64xf32>
    %add3A = vector.broadcast %slice3A_87 : vector<1x64xf32> to vector<256x64xf32>
    %add3A_88 = arith.addf %dot_general3A_86, %add3A : vector<256x64xf32>
    %slice3A_89 = vector.extract_strided_slice %convert_element_type3A_26 {offsets = [256, 0], sizes = [256, 64], strides = [1, 1]} : vector<2048x64xbf16> to vector<256x64xbf16>
    %dot_general3A_90 = arith.constant dense<0.000000e+00> : vector<256x64xf32>
    %dot_general3A_91 = tpu.matmul %convert_element_type3A_42, %slice3A_89, %dot_general3A_90 {dimension_numbers = #tpu.dot_dimension_numbers<[1], [0], [0], [1], [0, 0, 1, 1], [], []>, transpose_lhs_hint = false} : vector<256x256xbf16>, vector<256x64xbf16>, vector<256x64xf32> -> vector<256x64xf32>
    %slice3A_92 = vector.extract_strided_slice %dot_general3A_84 {offsets = [1, 0], sizes = [1, 64], strides = [1, 1]} : vector<8x64xf32> to vector<1x64xf32>
    %add3A_93 = vector.broadcast %slice3A_92 : vector<1x64xf32> to vector<256x64xf32>
    %add3A_94 = arith.addf %dot_general3A_91, %add3A_93 : vector<256x64xf32>
    %slice3A_95 = vector.extract_strided_slice %convert_element_type3A_26 {offsets = [512, 0], sizes = [256, 64], strides = [1, 1]} : vector<2048x64xbf16> to vector<256x64xbf16>
    %dot_general3A_96 = arith.constant dense<0.000000e+00> : vector<256x64xf32>
    %dot_general3A_97 = tpu.matmul %convert_element_type3A_42, %slice3A_95, %dot_general3A_96 {dimension_numbers = #tpu.dot_dimension_numbers<[1], [0], [0], [1], [0, 0, 1, 1], [], []>, transpose_lhs_hint = false} : vector<256x256xbf16>, vector<256x64xbf16>, vector<256x64xf32> -> vector<256x64xf32>
    %slice3A_98 = vector.extract_strided_slice %dot_general3A_84 {offsets = [2, 0], sizes = [1, 64], strides = [1, 1]} : vector<8x64xf32> to vector<1x64xf32>
    %add3A_99 = vector.broadcast %slice3A_98 : vector<1x64xf32> to vector<256x64xf32>
    %add3A_100 = arith.addf %dot_general3A_97, %add3A_99 : vector<256x64xf32>
    %slice3A_101 = vector.extract_strided_slice %convert_element_type3A_26 {offsets = [768, 0], sizes = [256, 64], strides = [1, 1]} : vector<2048x64xbf16> to vector<256x64xbf16>
    %dot_general3A_102 = arith.constant dense<0.000000e+00> : vector<256x64xf32>
    %dot_general3A_103 = tpu.matmul %convert_element_type3A_42, %slice3A_101, %dot_general3A_102 {dimension_numbers = #tpu.dot_dimension_numbers<[1], [0], [0], [1], [0, 0, 1, 1], [], []>, transpose_lhs_hint = false} : vector<256x256xbf16>, vector<256x64xbf16>, vector<256x64xf32> -> vector<256x64xf32>
    %slice3A_104 = vector.extract_strided_slice %dot_general3A_84 {offsets = [3, 0], sizes = [1, 64], strides = [1, 1]} : vector<8x64xf32> to vector<1x64xf32>
    %add3A_105 = vector.broadcast %slice3A_104 : vector<1x64xf32> to vector<256x64xf32>
    %add3A_106 = arith.addf %dot_general3A_103, %add3A_105 : vector<256x64xf32>
    %slice3A_107 = vector.extract_strided_slice %convert_element_type3A_26 {offsets = [1024, 0], sizes = [256, 64], strides = [1, 1]} : vector<2048x64xbf16> to vector<256x64xbf16>
    %dot_general3A_108 = arith.constant dense<0.000000e+00> : vector<256x64xf32>
    %dot_general3A_109 = tpu.matmul %convert_element_type3A_42, %slice3A_107, %dot_general3A_108 {dimension_numbers = #tpu.dot_dimension_numbers<[1], [0], [0], [1], [0, 0, 1, 1], [], []>, transpose_lhs_hint = false} : vector<256x256xbf16>, vector<256x64xbf16>, vector<256x64xf32> -> vector<256x64xf32>
    %slice3A_110 = vector.extract_strided_slice %dot_general3A_84 {offsets = [4, 0], sizes = [1, 64], strides = [1, 1]} : vector<8x64xf32> to vector<1x64xf32>
    %add3A_111 = vector.broadcast %slice3A_110 : vector<1x64xf32> to vector<256x64xf32>
    %add3A_112 = arith.addf %dot_general3A_109, %add3A_111 : vector<256x64xf32>
    %slice3A_113 = vector.extract_strided_slice %convert_element_type3A_26 {offsets = [1280, 0], sizes = [256, 64], strides = [1, 1]} : vector<2048x64xbf16> to vector<256x64xbf16>
    %dot_general3A_114 = arith.constant dense<0.000000e+00> : vector<256x64xf32>
    %dot_general3A_115 = tpu.matmul %convert_element_type3A_42, %slice3A_113, %dot_general3A_114 {dimension_numbers = #tpu.dot_dimension_numbers<[1], [0], [0], [1], [0, 0, 1, 1], [], []>, transpose_lhs_hint = false} : vector<256x256xbf16>, vector<256x64xbf16>, vector<256x64xf32> -> vector<256x64xf32>
    %slice3A_116 = vector.extract_strided_slice %dot_general3A_84 {offsets = [5, 0], sizes = [1, 64], strides = [1, 1]} : vector<8x64xf32> to vector<1x64xf32>
    %add3A_117 = vector.broadcast %slice3A_116 : vector<1x64xf32> to vector<256x64xf32>
    %add3A_118 = arith.addf %dot_general3A_115, %add3A_117 : vector<256x64xf32>
    %slice3A_119 = vector.extract_strided_slice %convert_element_type3A_26 {offsets = [1536, 0], sizes = [256, 64], strides = [1, 1]} : vector<2048x64xbf16> to vector<256x64xbf16>
    %dot_general3A_120 = arith.constant dense<0.000000e+00> : vector<256x64xf32>
    %dot_general3A_121 = tpu.matmul %convert_element_type3A_42, %slice3A_119, %dot_general3A_120 {dimension_numbers = #tpu.dot_dimension_numbers<[1], [0], [0], [1], [0, 0, 1, 1], [], []>, transpose_lhs_hint = false} : vector<256x256xbf16>, vector<256x64xbf16>, vector<256x64xf32> -> vector<256x64xf32>
    %slice3A_122 = vector.extract_strided_slice %dot_general3A_84 {offsets = [6, 0], sizes = [1, 64], strides = [1, 1]} : vector<8x64xf32> to vector<1x64xf32>
    %add3A_123 = vector.broadcast %slice3A_122 : vector<1x64xf32> to vector<256x64xf32>
    %add3A_124 = arith.addf %dot_general3A_121, %add3A_123 : vector<256x64xf32>
    %slice3A_125 = vector.extract_strided_slice %convert_element_type3A_26 {offsets = [1792, 0], sizes = [256, 64], strides = [1, 1]} : vector<2048x64xbf16> to vector<256x64xbf16>
    %dot_general3A_126 = arith.constant dense<0.000000e+00> : vector<256x64xf32>
    %dot_general3A_127 = tpu.matmul %convert_element_type3A_42, %slice3A_125, %dot_general3A_126 {dimension_numbers = #tpu.dot_dimension_numbers<[1], [0], [0], [1], [0, 0, 1, 1], [], []>, transpose_lhs_hint = false} : vector<256x256xbf16>, vector<256x64xbf16>, vector<256x64xf32> -> vector<256x64xf32>
    %slice3A_128 = vector.extract_strided_slice %dot_general3A_84 {offsets = [7, 0], sizes = [1, 64], strides = [1, 1]} : vector<8x64xf32> to vector<1x64xf32>
    %add3A_129 = vector.broadcast %slice3A_128 : vector<1x64xf32> to vector<256x64xf32>
    %add3A_130 = arith.addf %dot_general3A_127, %add3A_129 : vector<256x64xf32>
    %concatenate3A = tpu.concatenate %add3A_88, %add3A_94, %add3A_100, %add3A_106, %add3A_112, %add3A_118, %add3A_124, %add3A_130 in 0 : vector<256x64xf32>, vector<256x64xf32>, vector<256x64xf32>, vector<256x64xf32>, vector<256x64xf32>, vector<256x64xf32>, vector<256x64xf32>, vector<256x64xf32> -> vector<2048x64xf32>
    %add3A_131 = vector.broadcast %dot_general3A_36 : vector<1x64xf32> to vector<2048x64xf32>
    %add3A_132 = arith.addf %concatenate3A, %add3A_131 : vector<2048x64xf32>
    %convert_element_type3A_133 = arith.extf %convert_element_type3A_26 : vector<2048x64xbf16> to vector<2048x64xf32>
    %mul3A = arith.mulf %add3A_132, %convert_element_type3A_133 : vector<2048x64xf32>
    %reduce_sum3A_134 = arith.constant dense<0.000000e+00> : vector<2048xf32>
    %reduce_sum3A_135 = vector.multi_reduction <add>, %mul3A, %reduce_sum3A_134 [1] : vector<2048x64xf32> to vector<2048xf32>
    %broadcast_in_dim3A_136 = vector.shape_cast %reduce_sum3A_135 : vector<2048xf32> to vector<2048x1xf32>
    %convert_element_type3A_137 = arith.fptosi %broadcast_in_dim3A_136 : vector<2048x1xf32> to vector<2048x1xi32>
    %swap3A_138 = arith.constant 0 : index
    %swap3A_139 = arith.constant 0 : index
    %swap3A_140 = vector.load %arg3[%swap3A_138, %swap3A_139] : memref<2048x1xi32, #tpu.memory_space<vmem>>, vector<2048x1xi32>
    tpu.vector_store %arg3[%swap3A_138, %swap3A_139], %convert_element_type3A_137 {strides = array<i32>} : memref<2048x1xi32, #tpu.memory_space<vmem>>, vector<2048x1xi32>,
    %convert_element_type3A_141 = arith.fptosi %dot_general3A_36 : vector<1x64xf32> to vector<1x64xi32>
    %broadcast_in_dim3A_142 = arith.constant 2048 : i32
    %broadcast_in_dim3A_143 = vector.broadcast %broadcast_in_dim3A_142 : i32 to vector<1x16xi32>
    %concatenate3A_144 = tpu.concatenate %convert_element_type3A_141, %broadcast_in_dim3A_143 in 1 : vector<1x64xi32>, vector<1x16xi32> -> vector<1x80xi32>
    %swap3A_145 = arith.constant 0 : index
    %swap3A_146 = arith.constant 0 : index
    %swap3A_147 = vector.load %arg5[%swap3A_145, %swap3A_146] : memref<1x80xi32, #tpu.memory_space<vmem>>, vector<1x80xi32>
    tpu.vector_store %arg5[%swap3A_145, %swap3A_146], %concatenate3A_144 {strides = array<i32>} : memref<1x80xi32, #tpu.memory_space<vmem>>, vector<1x80xi32>,
    return
  }
}

</mosaic_0001>

<sc_bundles>
// kernel: kernel.6.cloned.1.call-start
scs
__scs_entry_jumppad:
0x0: {  	(pc) =	sbr.rel $0x88, $3  }
0x1: {  	(tag) =	ssettag $0x0;
	lr =	simm.s32 $0x1  }
0x2: {  	[smem:$0x3F9C] =	sst lr;
	_ =	strace $0xD0000000  }
0x3: {  	_ = 	snop  }
0x4: {  	_ = 	snop  }
0x5: {  	_ = 	snop  }
0x6: {  	_ = 	snop  }
0x7: {  	_ = 	snop  }
__scs_overlays_trampoline_lowered:
0x8: {  	[smem:$0x3FAB] =	sst s0  }
0x9: {  	[smem:$0x3FAC] =	sst s1  }
0xa: {  	[smem:$0x3FAD] =	sst s2  }
0xb: {  	[smem:$0x3FAE] =	sst s3  }
0xc: {  	[smem:$0x3FAF] =	sst s4  }
0xd: {  	[smem:$0x3FB0] =	sst s5  }
0xe: {  	[smem:$0x3FB1] =	sst s6  }
0xf: {  	[smem:$0x3FB2] =	sst s7  }
0x10: {  	[smem:$0x3FB3] =	sst s8  }
0x11: {  	[smem:$0x3FB4] =	sst s9;
	s0 =	simm.s32 @!p0 $0x0  }
0x12: {  	s1 =	sld [smem:$0x3F9A];
	s0 =	simm.s32 @p0 $0x1  }
0x13: {  	[smem:$0x3FB5] =	sst s0;
	s0 =	simm.s32 @!p1 $0x0  }
0x14: {  	s2 =	sld [smem:$0x3F99];
	s0 =	simm.s32 @p1 $0x1  }
0x15: {  	[smem:$0x3FB6] =	sst s0;
	s0 =	simm.s32 @!p2 $0x0  }
0x16: {  	s3 =	sld [smem:$0x3FDB];
	s0 =	simm.s32 @p2 $0x1  }
0x17: {  	s4 =	simm.s32 $0x1BF5;
	[smem:$0x3FB8] =	sst s0  }
0x18: {  	s0 =	sld [smem:$0x3F9B];
	_ =	swait.ge [sflag:s4], $0x0  }
0x19: {  	s7 =	sld [smem:$0x3F9C]  }
0x1a: {  	s8 =	sadd.s32 $0xFFFFE003, lr  }
0x1b: {  	s9 =	sadd.s32 $0xFFFFFEF7, lr;
	s5 =	simm.s32 $0xFFFFFFFF;
	p2 =	slt.u32 s8, $0xFFFFF086  }
0x1c: {  	p1 =	slt.u32 s9, $0xF7A;
	s5 =	simm.s32 @!p2 $0x0  }
0x1d: {  	s5 =	simm.s32 @p1 $0x1;
	p0 =	seq.s32 s7, s2  }
0x1e: {  	s7 =	smul.u32 @!p0 $0xF7A, s2;
	p2 =	seq.s32 @!p0 s5, $0x0  }
0x1f: {  	s9 =	smul.u32 $0xF7A, s1;
	s8 =	simm.s32 @!p0 $0x1BF5;
	p2 =	por !p2, p0  }
0x20: {  	[sflag:s8] =	ssyncset.s32 @!p0 $0xFFFFF086;
	s6 =	sadd.s32 @!p0 s3, s7;
	s7 =	simm.s32 @!p0 $0x108  }
0x21: {  	s3 =	sadd.s32 s3, s9;
	s6 =	sadd.s32 @!p0 $0x88, s6;
	s7 =	simm.s32 @p2 $0x1082  }
0x22: {  	[simem:s7], [sflag:s8] =	dma.local @!p0 [hbm:s6], $0xF7A  }
0x23: {  	s9 =	sor.u32 $0xD0000000, s2;
	s6 =	simm.s32 $0x108;
	_ =	swait.ge @!p0 [sflag:s8], $0x0  }
0x24: {  	s3 =	sadd.s32 $0x88, s3;
	s6 =	simm.s32 @!p1 $0x1082;
	[sflag:s4] =	ssyncset.s32 $0xFFFFF086  }
0x25: {  	[simem:s6], [sflag:s4] =	dma.local [hbm:s3], $0xF7A  }
0x26: {  	[smem:$0x3F9C] =	sst s1;
	(tag) =	ssettag s2;
	_ =	strace s9  }
0x27: {  	s1 =	sld [smem:$0x3FAC]  }
0x28: {  	s2 =	sld [smem:$0x3FAD]  }
0x29: {  	s4 =	sld [smem:$0x3FAF]  }
0x2a: {  	p0 =	seq.s32 s5, $0x0;
	s5 =	sld [smem:$0x3FB0]  }
0x2b: {  	s6 =	sld [smem:$0x3FB1]  }
0x2c: {  	s7 =	sld [smem:$0x3FB2]  }
0x2d: {  	s3 =	simm.s32 $0x108;
	s8 =	sld [smem:$0x3FB3]  }
0x2e: {  	s3 =	simm.s32 @!p0 $0x1082;
	s9 =	sld [smem:$0x3FB4]  }
0x2f: {  	lr =	sadd.s32 s0, s3;
	s0 =	sld [smem:$0x3FAB]  }
0x30: {  	s3 =	sld [smem:$0x3FAE]  }
0x31: {  	[smem:$0x3FB7] =	sst s10  }
0x32: {  	s10 =	sld [smem:$0x3FB5];
	_ =	sdelay $0x3  }
0x33: {  	p0 =	seq.s32 s10, $0x1;
	s10 =	sld [smem:$0x3FB7];
	_ =	sdelay $0x3  }
0x34: {  	[smem:$0x3FB7] =	sst s10  }
0x35: {  	s10 =	sld [smem:$0x3FB6];
	_ =	sdelay $0x3  }
0x36: {  	p1 =	seq.s32 s10, $0x1;
	s10 =	sld [smem:$0x3FB7];
	_ =	sdelay $0x3  }
0x37: {  	[smem:$0x3FB7] =	sst s10  }
0x38: {  	s10 =	sld [smem:$0x3FB8]  }
0x39: {  	_ = 	snop;
	(pc) =	sbr.ind lr, $3  }
0x3a: {  	_ = 	snop  }
0x3b: {  	_ = 	snop  }
0x3c: {  	p2 =	seq.s32 s10, $0x1;
	s10 =	sld [smem:$0x3FB7]  }
0x3d: {  	_ =	shalt  }
0x3e: {  	_ =	shalt  }
0x3f: {  	_ =	shalt  }
0x40: {  	_ =	shalt  }
0x41: {  	_ =	shalt  }
0x42: {  	_ =	shalt  }
0x43: {  	_ =	shalt  }
0x44: {  	_ =	shalt  }
0x45: {  	_ =	shalt  }
0x46: {  	_ =	shalt  }
0x47: {  	_ =	shalt  }
0x48: {  	_ =	shalt  }
0x49: {  	_ =	shalt  }
0x4a: {  	_ =	shalt  }
0x4b: {  	_ =	shalt  }
0x4c: {  	_ =	shalt  }
0x4d: {  	_ =	shalt  }
0x4e: {  	_ =	shalt  }
0x4f: {  	_ =	shalt  }
0x50: {  	_ =	shalt  }
0x51: {  	_ =	shalt  }
0x52: {  	_ =	shalt  }
0x53: {  	_ =	shalt  }
0x54: {  	_ =	shalt  }
0x55: {  	_ =	shalt  }
0x56: {  	_ =	shalt  }
0x57: {  	_ =	shalt  }
0x58: {  	_ =	shalt  }
0x59: {  	_ =	shalt  }
0x5a: {  	_ =	shalt  }
0x5b: {  	_ =	shalt  }
0x5c: {  	_ =	shalt  }
0x5d: {  	_ =	shalt  }
0x5e: {  	_ =	shalt  }
0x5f: {  	_ =	shalt  }
0x60: {  	_ =	shalt  }
0x61: {  	_ =	shalt  }
0x62: {  	_ =	shalt  }
0x63: {  	_ =	shalt  }
0x64: {  	_ =	shalt  }
0x65: {  	_ =	shalt  }
0x66: {  	_ =	shalt  }
0x67: {  	_ =	shalt  }
0x68: {  	_ =	shalt  }
0x69: {  	_ =	shalt  }
0x6a: {  	_ =	shalt  }
0x6b: {  	_ =	shalt  }
0x6c: {  	_ =	shalt  }
0x6d: {  	_ =	shalt  }
0x6e: {  	_ =	shalt  }
0x6f: {  	_ =	shalt  }
0x70: {  	_ =	shalt  }
0x71: {  	_ =	shalt  }
0x72: {  	_ =	shalt  }
0x73: {  	_ =	shalt  }
0x74: {  	_ =	shalt  }
0x75: {  	_ =	shalt  }
0x76: {  	_ =	shalt  }
0x77: {  	_ =	shalt  }
0x78: {  	_ =	shalt  }
0x79: {  	_ =	shalt  }
0x7a: {  	_ =	shalt  }
0x7b: {  	_ =	shalt  }
0x7c: {  	_ =	shalt  }
0x7d: {  	_ =	shalt  }
0x7e: {  	_ =	shalt  }
0x7f: {  	_ =	shalt  }
0x80: {  	_ =	shalt  }
0x81: {  	_ =	shalt  }
0x82: {  	_ =	shalt  }
0x83: {  	_ =	shalt  }
0x84: {  	_ =	shalt  }
0x85: {  	_ =	shalt  }
0x86: {  	_ =	shalt  }
0x87: {  	_ =	shalt  }
.Lfunc_end0:
.L_simem_size_0:
called_computation_lowered:
.L_overlay_start_0:
0x88: {  	s2 =	sld [smem:$0x3FD9]  }
0x89: {  	s3 =	sld [smem:$0x3FFE];
	_ =	sdelay $0x1  }
0x8a: {  	s1 =	srdreg.scid  }
0x8b: {  	s0 =	sand.u32 $0x1, s1  }
0x8c: {  	s14 =	sshll.u32 s0, $0xA;
	s2 =	sadd.s32 s3, s2  }
0x8d: {  	s2 =	sadd.s32 s2, s14  }
0x8e: {  	[smem:$0x3FC3] =	sst s2  }
0x8f: {  	_ = 	snop  }
0x90: {  	s2 =	sld [smem:$0x3FD0];
	_ =	sdelay $0x2  }
0x91: {  	s4 =	simm.s32 $0xA;
	s5 =	simm.s32 $0x10;
	s15 =	sld [smem:$0x3FC9]  }
0x92: {  	[smem:s5], [sflag:s4] =	dma.local [hbm:s2], $0x1  }
0x93: {  	_ =	swait.eq [sflag:s4], $0x1  }
0x94: {  	[sflag:s4] =	ssyncset.done $0x0  }
0x95: {  	[sflag:s4] =	ssyncadd.s32 $0xFFFFFFFF  }
0x96: {  	s16 =	sld [smem:$0x10];
	(tm) =	ssettm $0x1  }
0x97: {  	s17 =	sld [smem:$0x3FFB];
	_ =	sdelay $0x3  }
0x98: {  	_ =	strace s17  }
0x99: {  	s4 =	sld [smem:$0x3FFC];
	_ =	sdelay $0x3  }
0x9a: {  	_ =	strace s4  }
0x9b: {  	s4 =	sld [smem:$0x3FFD];
	_ =	sdelay $0x3  }
0x9c: {  	_ =	strace s4  }
0x9d: {  	_ =	strace $0x8FFFFFFF  }
0x9e: {  	s18 =	sld [smem:$0x3FDB];
	_ =	sdelay $0x1  }
0x9f: {  	s19 =	simm.s32 $_scs_section_size  }
0xa0: {  	s6 =	simm.s32 $_size__tile_overlayer_lowered;
	s7 =	simm.s32 $_tile_overlayer_lowered  }
0xa1: {  	s22 =	simm.s32 $0x1BFF;
	s21 =	sshll.u32 s7, $0x1;
	s4 =	sadd.s32 s19, s18  }
0xa2: {  	s8 =	simm.s32 $0x0;
	s20 =	sshll.u32 s6, $0x1;
	s6 =	sadd.s32 s21, s4  }
0xa3: {  	[timem:s8], [sflag:s22] =	dma.local [hbm:s6], s20  }
0xa4: {  	_ =	swait.ge [sflag:s22], s20  }
0xa5: {  	s5 =	ssub.s32 $0x0, s20;
	[sflag:s22] =	ssyncset.done $0x0  }
0xa6: {  	[sflag:s22] =	ssyncadd.s32 s5;
	_ =	sdelay $0x1  }
0xa7: {  	s23 =	simm.s32 $0x1B8B  }
0xa8: {  	_ =	swait.ge [sflag:s23], $0x1  }
0xa9: {  	[sflag:s23] =	ssyncset.done $0x0  }
0xaa: {  	s25 =	simm.s32 $0x1B8E;
	s24 =	sld [smem:$0x3FFE];
	[sflag:s23] =	ssyncadd.s32 $0xFFFFFFFF  }
0xab: {  	s26 =	simm.s32 $execute0_lowered;
	[smem:$0x3FD2] =	sst s25  }
0xac: {  	s6 =	sshll.u32 s26, $0x1;
	_ =	strace $0x80000046;
	[dreg:$0x1] =	wrdreg $0xFFFFFFFF  }
0xad: {  	s28 =	simm.s32 $_size_execute0_lowered;
	s4 =	sadd.s32 s4, s6;
	[dreg:$0x0] =	wrdreg $0x0  }
0xae: {  	s6 =	sshll.u32 s28, $0x1;
	[dreg:$0x2] =	wrdreg s4  }
0xaf: {  	[dreg:$0x3] =	wrdreg s6  }
0xb0: {  	[dreg:$0x4] =	wrdreg $0xC0  }
0xb1: {  	_ =	task [dreg:s8], $0x5FFFF  }
0xb2: {  	[dreg:$0x1] =	wrdreg $0xFFFFFFFF  }
0xb3: {  	[dreg:$0x0] =	wrdreg $0x60  }
0xb4: {  	[dreg:$0x2] =	wrdreg s15  }
0xb5: {  	[dreg:$0x3] =	wrdreg s24  }
0xb6: {  	[dreg:$0x4] =	wrdreg s16  }
0xb7: {  	[dreg:$0x5] =	wrdreg $0x9  }
0xb8: {  	_ =	task.clear_ibuf [dreg:s8], $0x6FFFF;
	_ =	strace $0x90000046  }
0xb9: {  	s29 =	simm.s32 $0x9;
	_ =	strace $0x80000048  }
0xba: {  	_ =	swait.ge [sflag:s29], $0x1  }
0xbb: {  	[sflag:s29] =	ssyncadd.s32 $0xFFFFFFFF  }
0xbc: {  	_ =	strace $0x90000048  }
0xbd: {  	_ =	sfence  }
0xbe: {  	s30 =	sld [smem:$0x0];
	_ =	sdelay $0x2  }
0xbf: {  	s31 =	sshll.u32 s1, $0xD;
	s1 =	sshrl.u32 s1, $0x2  }
0xc0: {  	s3 =	sand.u32 $0x4000, s31;
	s1 =	sadd.s32 s1, s30  }
0xc1: {  	s0 =	sor.u32 s3, s0;
	s1 =	sshll.u32 s1, $0x11  }
0xc2: {  	s0 =	sor.u32 s1, s0  }
0xc3: {  	s0 =	sadd.s32 $0x8F2B, s0  }
0xc4: {  	[sflag:s0] =	ssyncadd.remote.s32 $0x1  }
0xc5: {  	_ =	sfence.sel $0xFFFF  }
0xc6: {  	[dreg:$0x0] =	wrdreg $0xFFFFFFFF;
	(pc) =	sbr.abs _section_cstart, $3  }
0xc7: {  	[dreg:$0x1] =	wrdreg $0xFFFFFFFF  }
0xc8: {  	_ =	task.clear_ibuf [dreg:s8], $0x2FFFF;
	_ =	strace $0x9FFFFFFF  }
0xc9: {  	(tm) =	ssettm $0x7FFFFFFF  }
tec
execute0_lowered:
.L_overlay_start_1:
0x0: {  	(tag) =	ssettag $0x1  }
0x1: {  	s1 =	rddreg [dreg:$0x0];
	s2 =	srdreg.scid  }
0x2: {  	s4 =	rddreg [dreg:$0x1];
	s0 =	stileid.u32  }
0x3: {  	s3 =	simm.s32 $0x0;
	s24 =	simm.s32 $0x880;
	s25 =	simm.s32 $0x1080  }
0x4: {  	s26 =	simm.s32 $0x1880;
	s10 =	simm.s32 $0x2;
	s12 =	simm.s32 $0x2880  }
0x5: {  	s13 =	simm.s32 $0x3080;
	s14 =	simm.s32 $0x3880;
	s15 =	simm.s32 $0x4080  }
0x6: {  	s16 =	simm.s32 $0x4880;
	s17 =	simm.s32 $0x5080;
	s18 =	simm.s32 $0x5880  }
0x7: {  	s19 =	simm.s32 $0x6080;
	s20 =	simm.s32 $0x6880;
	s28 =	simm.s32 $0xA080  }
0x8: {  	s29 =	simm.s32 $0xA880;
	s5 =	sand.u32 $0x1, s2;
	s2 =	rddreg [dreg:$0x2]  }
0x9: {  	s30 =	simm.s32 $0xB080;
	[smem:$0x7FF] =	sst s3;
	s9 =	sadd.s32 $0x10E00, s4  }
0xa: {  	s31 =	simm.s32 $0xB880;
	_ =	strace $0x80000047;
	[dreg:$0x4] =	wrdreg s9  }
0xb: {  	s6 =	sshll.u32 s0, $0x7;
	s7 =	sshll.u32 s5, $0x6;
	[dreg:$0x8] =	wrdreg s24  }
0xc: {  	s5 =	ssub.s32 $0x2, s5;
	[dreg:$0x9] =	wrdreg s25;
	s9 =	simm.s32 $0x1  }
0xd: {  	[dreg:$0xa] =	wrdreg s26;
	s24 =	simm.s32 $0x8880;
	s6 =	sor.u32 s7, s6  }
0xe: {  	s25 =	simm.s32 $0x9080;
	s26 =	simm.s32 $0x9880;
	s7 =	sshrl.u32 s6, $0x3  }
0xf: {  	s22 =	sshrl.u32 s5, $0x1;
	s6 =	sshll.u32 s6, $0x4;
	s8 =	sadd.s32 s7, s4  }
0x10: {  	s7 =	smul.u32 $0x300, s7;
	s4 =	sadd.s32 s6, s4;
	s6 =	ssub.s32 s5, s22  }
0x11: {  	s5 =	sadd.s32 $0x200, s2;
	s22 =	simm.s32 $0x7880;
	s21 =	sadd.s32 $0x10C00, s8  }
0x12: {  	s23 =	sadd.s32 $0xC00, s4;
	s4 =	sadd.s32 $0x100, s2;
	s6 =	smax.u32 s6, $0x1  }
0x13: {  	v2 =	vlaneseq.u32;
	s8 =	simm.s32 $0xC080;
	[dreg:$0x5] =	wrdreg s21;
	s1 =	sadd.s32 s1, s7  }
0x14: {  	vm0 =	vmmov $0xffff;
	v1 =	vshrl.u32 v2, $0x3;
	[dreg:$0x7] =	wrdreg s23;
	s7 =	simm.s32 $0x80;
	s21 =	simm.s32 $0x7080  }
0x15: {  	v0 =	vand.u32 $0x7, v2;
	v2 =	vor.u32 $0x8, v2;
	v1 =	vmul.u32 $0x8, v1;
	s23 =	simm.s32 $0x8080;
	[dreg:$0x6] =	wrdreg s1;
	s1 =	simm.s32 $0x40  }
.LBB2_1:
0x16: {  	s0 =	rddreg [dreg:$0x5]  }
0x17: {  	[tilespmem:s3], [sflag:$0x1] =	stream.linear.gather [hbm4b:s0+s3], $0x40, $0x38;
	[tilespmem:$0xE080] =	vst v63  }
0x18: {  	s11 =	rddreg [dreg:$0x6]  }
0x19: {  	[tilespmem:s7], [sflag:$0x2] =	stream.linear.gather [hbm4b:s11+s3], $0xC000, $0x38;
	[tilespmem:$0xE080] =	vst v63  }
0x1a: {  	s0 =	rddreg [dreg:$0x7]  }
0x1b: {  	[tilespmem:s8], [sflag:$0x1] =	stream.linear.gather [hbm4b:s0+s3], $0x2000, $0x38;
	[tilespmem:$0xE080] =	vst v63  }
0x1c: {  	_ =	swait.ge [sflag:s9], $0x40  }
0x1d: {  	[sflag:s9] =	ssyncset.done $0x0  }
0x1e: {  	[sflag:s9] =	ssyncadd.s32 $0xFFFFFFC0  }
0x1f: {  	_ =	swait.ge [sflag:s10], $0xC000  }
0x20: {  	[sflag:s10] =	ssyncset.done $0x0  }
0x21: {  	[sflag:s10] =	ssyncadd.s32 $0xFFFF4000  }
0x22: {  	_ =	swait.ge [sflag:s9], $0x2000  }
0x23: {  	[sflag:s9] =	ssyncset.done $0x0  }
0x24: {  	[sflag:s9] =	ssyncadd.s32 $0xFFFFE000  }
0x25: {  	v3 =	vld [tilespmem:$0x0];
	_ =	sdelay $0x4  }
0x26: {  	v4 =	vshrl.u32 v3, $0x3  }
0x27: {  	v4 =	vmul.u32 $0x30, v4  }
0x28: {  	v3 =	vand.u32 $0x7, v3  }
0x29: {  	v3 =	vor.u32 v3, v4  }
0x2a: {  	v4 =	vperm.xlane v3, v0;
	_ =	sdelay $0x1  }
0x2b: {  	v4 =	vadd.s32 v1, v4;
	_ =	sdelay $0x3  }
0x2c: {  	v3 =	vperm.xlane v3, v2  }
0x2d: {  	[hbm4b:s2+s3] =	stream.indirect_vreg.scatter [tilespmem:s7], [sflag:$0x1], $0x80, v4, vm0, $0xb8;
	[tilespmem:$0xE080] =	vst v63  }
0x2e: {  	s0 =	rddreg [dreg:$0x8];
	v3 =	vadd.s32 v1, v3  }
0x2f: {  	[hbm4b:s4+s3] =	stream.indirect_vreg.scatter [tilespmem:s0], [sflag:$0x1], $0x80, v4, vm0, $0xb8;
	[tilespmem:$0xE080] =	vst v63  }
0x30: {  	s11 =	rddreg [dreg:$0x9]  }
0x31: {  	[hbm4b:s5+s3] =	stream.indirect_vreg.scatter [tilespmem:s11], [sflag:$0x1], $0x80, v4, vm0, $0xb8;
	[tilespmem:$0xE080] =	vst v63  }
0x32: {  	s0 =	rddreg [dreg:$0xa]  }
0x33: {  	[hbm4b:s2+s3] =	stream.indirect_vreg.scatter [tilespmem:s0], [sflag:$0x1], $0x80, v3, vm0, $0xb8;
	[tilespmem:$0xE080] =	vst v63  }
0x34: {  	s11 =	simm.s32 $0x2080  }
0x35: {  	[hbm4b:s4+s3] =	stream.indirect_vreg.scatter [tilespmem:s11], [sflag:$0x1], $0x80, v3, vm0, $0xb8;
	[tilespmem:$0xE080] =	vst v63  }
0x36: {  	_ = 	snop  }
0x37: {  	[hbm4b:s5+s3] =	stream.indirect_vreg.scatter [tilespmem:s12], [sflag:$0x1], $0x80, v3, vm0, $0xb8;
	[tilespmem:$0xE080] =	vst v63  }
0x38: {  	v3 =	vld [tilespmem:$0x10];
	_ =	sdelay $0x4  }
0x39: {  	v61 =	vshrl.u32 v3, $0x3  }
0x3a: {  	v4 =	vmul.u32 $0x30, v61  }
0x3b: {  	v3 =	vand.u32 $0x7, v3  }
0x3c: {  	v3 =	vor.u32 v3, v4  }
0x3d: {  	v4 =	vperm.xlane v3, v0;
	_ =	sdelay $0x1  }
0x3e: {  	v4 =	vadd.s32 v1, v4;
	_ =	sdelay $0x3  }
0x3f: {  	v3 =	vperm.xlane v3, v2  }
0x40: {  	[hbm4b:s2+s3] =	stream.indirect_vreg.scatter [tilespmem:s13], [sflag:$0x1], $0x80, v4, vm0, $0xb8;
	[tilespmem:$0xE080] =	vst v63  }
0x41: {  	v3 =	vadd.s32 v1, v3  }
0x42: {  	[hbm4b:s4+s3] =	stream.indirect_vreg.scatter [tilespmem:s14], [sflag:$0x1], $0x80, v4, vm0, $0xb8;
	[tilespmem:$0xE080] =	vst v63  }
0x43: {  	_ = 	snop  }
0x44: {  	[hbm4b:s5+s3] =	stream.indirect_vreg.scatter [tilespmem:s15], [sflag:$0x1], $0x80, v4, vm0, $0xb8;
	[tilespmem:$0xE080] =	vst v63  }
0x45: {  	_ = 	snop  }
0x46: {  	[hbm4b:s2+s3] =	stream.indirect_vreg.scatter [tilespmem:s16], [sflag:$0x1], $0x80, v3, vm0, $0xb8;
	[tilespmem:$0xE080] =	vst v63  }
0x47: {  	_ = 	snop  }
0x48: {  	[hbm4b:s4+s3] =	stream.indirect_vreg.scatter [tilespmem:s17], [sflag:$0x1], $0x80, v3, vm0, $0xb8;
	[tilespmem:$0xE080] =	vst v63  }
0x49: {  	_ = 	snop  }
0x4a: {  	[hbm4b:s5+s3] =	stream.indirect_vreg.scatter [tilespmem:s18], [sflag:$0x1], $0x80, v3, vm0, $0xb8;
	[tilespmem:$0xE080] =	vst v63  }
0x4b: {  	v3 =	vld [tilespmem:$0x20];
	_ =	sdelay $0x4  }
0x4c: {  	v62 =	vshrl.u32 v3, $0x3  }
0x4d: {  	v4 =	vmul.u32 $0x30, v62  }
0x4e: {  	v3 =	vand.u32 $0x7, v3  }
0x4f: {  	v3 =	vor.u32 v3, v4  }
0x50: {  	v4 =	vperm.xlane v3, v0;
	_ =	sdelay $0x1  }
0x51: {  	v4 =	vadd.s32 v1, v4;
	_ =	sdelay $0x3  }
0x52: {  	v3 =	vperm.xlane v3, v2  }
0x53: {  	[hbm4b:s2+s3] =	stream.indirect_vreg.scatter [tilespmem:s19], [sflag:$0x1], $0x80, v4, vm0, $0xb8;
	[tilespmem:$0xE080] =	vst v63  }
0x54: {  	v3 =	vadd.s32 v1, v3  }
0x55: {  	[hbm4b:s4+s3] =	stream.indirect_vreg.scatter [tilespmem:s20], [sflag:$0x1], $0x80, v4, vm0, $0xb8;
	[tilespmem:$0xE080] =	vst v63  }
0x56: {  	_ = 	snop  }
0x57: {  	[hbm4b:s5+s3] =	stream.indirect_vreg.scatter [tilespmem:s21], [sflag:$0x1], $0x80, v4, vm0, $0xb8;
	[tilespmem:$0xE080] =	vst v63  }
0x58: {  	_ = 	snop  }
0x59: {  	[hbm4b:s2+s3] =	stream.indirect_vreg.scatter [tilespmem:s22], [sflag:$0x1], $0x80, v3, vm0, $0xb8;
	[tilespmem:$0xE080] =	vst v63  }
0x5a: {  	_ = 	snop  }
0x5b: {  	[hbm4b:s4+s3] =	stream.indirect_vreg.scatter [tilespmem:s23], [sflag:$0x1], $0x80, v3, vm0, $0xb8;
	[tilespmem:$0xE080] =	vst v63  }
0x5c: {  	_ = 	snop  }
0x5d: {  	[hbm4b:s5+s3] =	stream.indirect_vreg.scatter [tilespmem:s24], [sflag:$0x1], $0x80, v3, vm0, $0xb8;
	[tilespmem:$0xE080] =	vst v63  }
0x5e: {  	v3 =	vld [tilespmem:$0x30];
	_ =	sdelay $0x4  }
0x5f: {  	v63 =	vshrl.u32 v3, $0x3  }
0x60: {  	v4 =	vmul.u32 $0x30, v63  }
0x61: {  	v3 =	vand.u32 $0x7, v3  }
0x62: {  	v3 =	vor.u32 v3, v4  }
0x63: {  	v4 =	vperm.xlane v3, v0;
	_ =	sdelay $0x1  }
0x64: {  	v4 =	vadd.s32 v1, v4;
	_ =	sdelay $0x3  }
0x65: {  	v3 =	vperm.xlane v3, v2  }
0x66: {  	[hbm4b:s2+s3] =	stream.indirect_vreg.scatter [tilespmem:s25], [sflag:$0x1], $0x80, v4, vm0, $0xb8;
	[tilespmem:$0xE080] =	vst v63  }
0x67: {  	v3 =	vadd.s32 v1, v3  }
0x68: {  	[hbm4b:s4+s3] =	stream.indirect_vreg.scatter [tilespmem:s26], [sflag:$0x1], $0x80, v4, vm0, $0xb8;
	[tilespmem:$0xE080] =	vst v63  }
0x69: {  	_ = 	snop  }
0x6a: {  	[hbm4b:s5+s3] =	stream.indirect_vreg.scatter [tilespmem:s28], [sflag:$0x1], $0x80, v4, vm0, $0xb8;
	[tilespmem:$0xE080] =	vst v63  }
0x6b: {  	_ = 	snop  }
0x6c: {  	[hbm4b:s2+s3] =	stream.indirect_vreg.scatter [tilespmem:s29], [sflag:$0x1], $0x80, v3, vm0, $0xb8;
	[tilespmem:$0xE080] =	vst v63  }
0x6d: {  	_ = 	snop  }
0x6e: {  	[hbm4b:s4+s3] =	stream.indirect_vreg.scatter [tilespmem:s30], [sflag:$0x1], $0x80, v3, vm0, $0xb8;
	[tilespmem:$0xE080] =	vst v63  }
0x6f: {  	_ = 	snop  }
0x70: {  	[hbm4b:s5+s3] =	stream.indirect_vreg.scatter [tilespmem:s31], [sflag:$0x1], $0x80, v3, vm0, $0xb8;
	[tilespmem:$0xE080] =	vst v63  }
0x71: {  	s11 =	rddreg [dreg:$0x4]  }
0x72: {  	[hbm4b:s11+s1] =	stream.indirect.scatter [tilespmem:s8], [sflag:$0x2], $0x80, s3, s1, $0xb8;
	[tilespmem:$0xE080] =	vst v63  }
0x73: {  	p0 =	sne.s32 s6, $0x1;
	_ =	swait.ge [sflag:s9], $0xC000  }
.Ltmp0:
0x74: {  	[sflag:s9] =	ssyncset.done $0x0;
	(pc) =	sbr.rel @p0 .LBB2_1-.Ltmp0, $4  }
0x75: {  	[sflag:s9] =	ssyncadd.s32 $0xFFFF4000  }
0x76: {  	_ =	swait.ge [sflag:s10], $0x2000  }
0x77: {  	[sflag:s10] =	ssyncset.done $0x0  }
0x78: {  	s6 =	sadd.s32 $0xFFFFFFFF, s6;
	[sflag:s10] =	ssyncadd.s32 $0xFFFFE000  }
0x79: {  	_ =	sfence.sel $0x180000  }
0x7a: {  	[bflag:$0x0] =	sbarrier.arrive $0xFFFF  }
0x7b: {  	_ =	strace $0x90000047  }
0x7c: {  	s0 =	stileid.u32;
	[bflag:$0x2] =	sbarrier.arrive $0xFFFF  }
0x7d: {  	p0 =	sne.s32 s0, $0x0;
	s0 =	rddreg [dreg:$0x3]  }
0x7e: {  	s0 =	sadd.s32 @!p0 $0x100000, s0  }
0x7f: {  	[sflag:s0] =	ssyncadd.tile.s32 @!p0 $0x1;
	_ =	shalt  }
.Lfunc_end2:
_tile_overlayer_lowered:
.L_overlay_start_2:
0x80: {  	(tag) =	ssettag $0x2  }
0x81: {  	s0 =	rddreg [dreg:$0x0];
	s2 =	stileid.u32  }
0x82: {  	s1 =	rddreg [dreg:$0x1];
	p0 =	sne.s32 s2, $0x0  }
0x83: {  	s3 =	rddreg [dreg:$0x2];
	[bflag:$0x3] =	sbarrier.arrive $0xFFFF;
	s2 =	simm.s32 @!p0 $0x1C03  }
0x84: {  	[timem:s3], [sflag:s2] =	dma.local @!p0 [hbm:s0], s1  }
0x85: {  	s0 =	simm.s32 @!p0 $0x3  }
0x86: {  	_ =	swait.ge @!p0 [sflag:s0], s1  }
0x87: {  	s1 =	ssub.s32 @!p0 $0x0, s1;
	[sflag:s0] =	ssyncset.done @!p0 $0x0  }
0x88: {  	[sflag:s0] =	ssyncadd.s32 @!p0 s1  }
0x89: {  	[bflag:$0x3] =	sbarrier.arrive $0xFFFF  }
0x8a: {  	_ =	shalt  }

// kernel: kernel.9.cloned.1.call-start
scs
__scs_entry_jumppad:
0x0: {  	(pc) =	sbr.rel $0x88, $3  }
0x1: {  	(tag) =	ssettag $0x0;
	lr =	simm.s32 $0x1  }
0x2: {  	[smem:$0x3F9C] =	sst lr;
	_ =	strace $0xD0000000  }
0x3: {  	_ = 	snop  }
0x4: {  	_ = 	snop  }
0x5: {  	_ = 	snop  }
0x6: {  	_ = 	snop  }
0x7: {  	_ = 	snop  }
__scs_overlays_trampoline_lowered:
0x8: {  	[smem:$0x3FAB] =	sst s0  }
0x9: {  	[smem:$0x3FAC] =	sst s1  }
0xa: {  	[smem:$0x3FAD] =	sst s2  }
0xb: {  	[smem:$0x3FAE] =	sst s3  }
0xc: {  	[smem:$0x3FAF] =	sst s4  }
0xd: {  	[smem:$0x3FB0] =	sst s5  }
0xe: {  	[smem:$0x3FB1] =	sst s6  }
0xf: {  	[smem:$0x3FB2] =	sst s7  }
0x10: {  	[smem:$0x3FB3] =	sst s8  }
0x11: {  	[smem:$0x3FB4] =	sst s9;
	s0 =	simm.s32 @!p0 $0x0  }
0x12: {  	s1 =	sld [smem:$0x3F9A];
	s0 =	simm.s32 @p0 $0x1  }
0x13: {  	[smem:$0x3FB5] =	sst s0;
	s0 =	simm.s32 @!p1 $0x0  }
0x14: {  	s2 =	sld [smem:$0x3F99];
	s0 =	simm.s32 @p1 $0x1  }
0x15: {  	[smem:$0x3FB6] =	sst s0;
	s0 =	simm.s32 @!p2 $0x0  }
0x16: {  	s3 =	sld [smem:$0x3FDB];
	s0 =	simm.s32 @p2 $0x1  }
0x17: {  	s4 =	simm.s32 $0x1BF5;
	[smem:$0x3FB8] =	sst s0  }
0x18: {  	s0 =	sld [smem:$0x3F9B];
	_ =	swait.ge [sflag:s4], $0x0  }
0x19: {  	s7 =	sld [smem:$0x3F9C]  }
0x1a: {  	s8 =	sadd.s32 $0xFFFFE003, lr  }
0x1b: {  	s9 =	sadd.s32 $0xFFFFFEF7, lr;
	s5 =	simm.s32 $0xFFFFFFFF;
	p2 =	slt.u32 s8, $0xFFFFF086  }
0x1c: {  	p1 =	slt.u32 s9, $0xF7A;
	s5 =	simm.s32 @!p2 $0x0  }
0x1d: {  	s5 =	simm.s32 @p1 $0x1;
	p0 =	seq.s32 s7, s2  }
0x1e: {  	s7 =	smul.u32 @!p0 $0xF7A, s2;
	p2 =	seq.s32 @!p0 s5, $0x0  }
0x1f: {  	s9 =	smul.u32 $0xF7A, s1;
	s8 =	simm.s32 @!p0 $0x1BF5;
	p2 =	por !p2, p0  }
0x20: {  	[sflag:s8] =	ssyncset.s32 @!p0 $0xFFFFF086;
	s6 =	sadd.s32 @!p0 s3, s7;
	s7 =	simm.s32 @!p0 $0x108  }
0x21: {  	s3 =	sadd.s32 s3, s9;
	s6 =	sadd.s32 @!p0 $0x88, s6;
	s7 =	simm.s32 @p2 $0x1082  }
0x22: {  	[simem:s7], [sflag:s8] =	dma.local @!p0 [hbm:s6], $0xF7A  }
0x23: {  	s9 =	sor.u32 $0xD0000000, s2;
	s6 =	simm.s32 $0x108;
	_ =	swait.ge @!p0 [sflag:s8], $0x0  }
0x24: {  	s3 =	sadd.s32 $0x88, s3;
	s6 =	simm.s32 @!p1 $0x1082;
	[sflag:s4] =	ssyncset.s32 $0xFFFFF086  }
0x25: {  	[simem:s6], [sflag:s4] =	dma.local [hbm:s3], $0xF7A  }
0x26: {  	[smem:$0x3F9C] =	sst s1;
	(tag) =	ssettag s2;
	_ =	strace s9  }
0x27: {  	s1 =	sld [smem:$0x3FAC]  }
0x28: {  	s2 =	sld [smem:$0x3FAD]  }
0x29: {  	s4 =	sld [smem:$0x3FAF]  }
0x2a: {  	p0 =	seq.s32 s5, $0x0;
	s5 =	sld [smem:$0x3FB0]  }
0x2b: {  	s6 =	sld [smem:$0x3FB1]  }
0x2c: {  	s7 =	sld [smem:$0x3FB2]  }
0x2d: {  	s3 =	simm.s32 $0x108;
	s8 =	sld [smem:$0x3FB3]  }
0x2e: {  	s3 =	simm.s32 @!p0 $0x1082;
	s9 =	sld [smem:$0x3FB4]  }
0x2f: {  	lr =	sadd.s32 s0, s3;
	s0 =	sld [smem:$0x3FAB]  }
0x30: {  	s3 =	sld [smem:$0x3FAE]  }
0x31: {  	[smem:$0x3FB7] =	sst s10  }
0x32: {  	s10 =	sld [smem:$0x3FB5];
	_ =	sdelay $0x3  }
0x33: {  	p0 =	seq.s32 s10, $0x1;
	s10 =	sld [smem:$0x3FB7];
	_ =	sdelay $0x3  }
0x34: {  	[smem:$0x3FB7] =	sst s10  }
0x35: {  	s10 =	sld [smem:$0x3FB6];
	_ =	sdelay $0x3  }
0x36: {  	p1 =	seq.s32 s10, $0x1;
	s10 =	sld [smem:$0x3FB7];
	_ =	sdelay $0x3  }
0x37: {  	[smem:$0x3FB7] =	sst s10  }
0x38: {  	s10 =	sld [smem:$0x3FB8]  }
0x39: {  	_ = 	snop;
	(pc) =	sbr.ind lr, $3  }
0x3a: {  	_ = 	snop  }
0x3b: {  	_ = 	snop  }
0x3c: {  	p2 =	seq.s32 s10, $0x1;
	s10 =	sld [smem:$0x3FB7]  }
0x3d: {  	_ =	shalt  }
0x3e: {  	_ =	shalt  }
0x3f: {  	_ =	shalt  }
0x40: {  	_ =	shalt  }
0x41: {  	_ =	shalt  }
0x42: {  	_ =	shalt  }
0x43: {  	_ =	shalt  }
0x44: {  	_ =	shalt  }
0x45: {  	_ =	shalt  }
0x46: {  	_ =	shalt  }
0x47: {  	_ =	shalt  }
0x48: {  	_ =	shalt  }
0x49: {  	_ =	shalt  }
0x4a: {  	_ =	shalt  }
0x4b: {  	_ =	shalt  }
0x4c: {  	_ =	shalt  }
0x4d: {  	_ =	shalt  }
0x4e: {  	_ =	shalt  }
0x4f: {  	_ =	shalt  }
0x50: {  	_ =	shalt  }
0x51: {  	_ =	shalt  }
0x52: {  	_ =	shalt  }
0x53: {  	_ =	shalt  }
0x54: {  	_ =	shalt  }
0x55: {  	_ =	shalt  }
0x56: {  	_ =	shalt  }
0x57: {  	_ =	shalt  }
0x58: {  	_ =	shalt  }
0x59: {  	_ =	shalt  }
0x5a: {  	_ =	shalt  }
0x5b: {  	_ =	shalt  }
0x5c: {  	_ =	shalt  }
0x5d: {  	_ =	shalt  }
0x5e: {  	_ =	shalt  }
0x5f: {  	_ =	shalt  }
0x60: {  	_ =	shalt  }
0x61: {  	_ =	shalt  }
0x62: {  	_ =	shalt  }
0x63: {  	_ =	shalt  }
0x64: {  	_ =	shalt  }
0x65: {  	_ =	shalt  }
0x66: {  	_ =	shalt  }
0x67: {  	_ =	shalt  }
0x68: {  	_ =	shalt  }
0x69: {  	_ =	shalt  }
0x6a: {  	_ =	shalt  }
0x6b: {  	_ =	shalt  }
0x6c: {  	_ =	shalt  }
0x6d: {  	_ =	shalt  }
0x6e: {  	_ =	shalt  }
0x6f: {  	_ =	shalt  }
0x70: {  	_ =	shalt  }
0x71: {  	_ =	shalt  }
0x72: {  	_ =	shalt  }
0x73: {  	_ =	shalt  }
0x74: {  	_ =	shalt  }
0x75: {  	_ =	shalt  }
0x76: {  	_ =	shalt  }
0x77: {  	_ =	shalt  }
0x78: {  	_ =	shalt  }
0x79: {  	_ =	shalt  }
0x7a: {  	_ =	shalt  }
0x7b: {  	_ =	shalt  }
0x7c: {  	_ =	shalt  }
0x7d: {  	_ =	shalt  }
0x7e: {  	_ =	shalt  }
0x7f: {  	_ =	shalt  }
0x80: {  	_ =	shalt  }
0x81: {  	_ =	shalt  }
0x82: {  	_ =	shalt  }
0x83: {  	_ =	shalt  }
0x84: {  	_ =	shalt  }
0x85: {  	_ =	shalt  }
0x86: {  	_ =	shalt  }
0x87: {  	_ =	shalt  }
.Lfunc_end0:
.L_simem_size_0:
called_computation.1_lowered:
.L_overlay_start_0:
0x88: {  	s2 =	sld [smem:$0x3FD9]  }
0x89: {  	s3 =	sld [smem:$0x3FFE];
	_ =	sdelay $0x1  }
0x8a: {  	s1 =	srdreg.scid  }
0x8b: {  	s0 =	sand.u32 $0x1, s1  }
0x8c: {  	s14 =	sshll.u32 s0, $0xA;
	s2 =	sadd.s32 s3, s2  }
0x8d: {  	s2 =	sadd.s32 s2, s14  }
0x8e: {  	[smem:$0x3FC3] =	sst s2  }
0x8f: {  	_ = 	snop  }
0x90: {  	s2 =	sld [smem:$0x3FD0];
	_ =	sdelay $0x2  }
0x91: {  	s15 =	simm.s32 $0xA;
	s4 =	simm.s32 $0x10  }
0x92: {  	[smem:s4], [sflag:s15] =	dma.local [hbm:s2], $0x1  }
0x93: {  	_ =	swait.eq [sflag:s15], $0x1  }
0x94: {  	[sflag:s15] =	ssyncset.done $0x0  }
0x95: {  	[sflag:s15] =	ssyncadd.s32 $0xFFFFFFFF  }
0x96: {  	s16 =	sld [smem:$0x10];
	(tm) =	ssettm $0x1  }
0x97: {  	s17 =	sld [smem:$0x3FFB];
	_ =	sdelay $0x3  }
0x98: {  	_ =	strace s17  }
0x99: {  	s3 =	sld [smem:$0x3FFC];
	_ =	sdelay $0x3  }
0x9a: {  	_ =	strace s3  }
0x9b: {  	s3 =	sld [smem:$0x3FFD];
	_ =	sdelay $0x3  }
0x9c: {  	_ =	strace s3  }
0x9d: {  	_ =	strace $0x8FFFFFFF  }
0x9e: {  	s18 =	sld [smem:$0x3FDB];
	_ =	sdelay $0x1  }
0x9f: {  	s19 =	simm.s32 $_scs_section_size  }
0xa0: {  	s5 =	simm.s32 $_size__tile_overlayer_lowered;
	s6 =	simm.s32 $_tile_overlayer_lowered  }
0xa1: {  	s22 =	simm.s32 $0x1BFF;
	s21 =	sshll.u32 s6, $0x1;
	s3 =	sadd.s32 s19, s18  }
0xa2: {  	s7 =	simm.s32 $0x0;
	s20 =	sshll.u32 s5, $0x1;
	s5 =	sadd.s32 s21, s3  }
0xa3: {  	[timem:s7], [sflag:s22] =	dma.local [hbm:s5], s20  }
0xa4: {  	_ =	swait.ge [sflag:s22], s20  }
0xa5: {  	s4 =	ssub.s32 $0x0, s20;
	[sflag:s22] =	ssyncset.done $0x0  }
0xa6: {  	[sflag:s22] =	ssyncadd.s32 s4;
	_ =	sdelay $0x1  }
0xa7: {  	s23 =	simm.s32 $0x1B8B  }
0xa8: {  	_ =	swait.ge [sflag:s23], $0x1  }
0xa9: {  	[sflag:s23] =	ssyncset.done $0x0  }
0xaa: {  	s25 =	simm.s32 $0x1B8E;
	s24 =	sld [smem:$0x3FFE];
	[sflag:s23] =	ssyncadd.s32 $0xFFFFFFFF  }
0xab: {  	s26 =	simm.s32 $execute0_lowered;
	[smem:$0x3FD2] =	sst s25  }
0xac: {  	s5 =	sshll.u32 s26, $0x1;
	_ =	strace $0x80000049;
	[dreg:$0x1] =	wrdreg $0xFFFFFFFF  }
0xad: {  	s28 =	simm.s32 $_size_execute0_lowered;
	s3 =	sadd.s32 s3, s5;
	[dreg:$0x0] =	wrdreg $0x0  }
0xae: {  	s5 =	sshll.u32 s28, $0x1;
	[dreg:$0x2] =	wrdreg s3  }
0xaf: {  	[dreg:$0x3] =	wrdreg s5  }
0xb0: {  	[dreg:$0x4] =	wrdreg $0xC0  }
0xb1: {  	_ =	task [dreg:s7], $0x5FFFF  }
0xb2: {  	[dreg:$0x1] =	wrdreg $0xFFFFFFFF  }
0xb3: {  	[dreg:$0x0] =	wrdreg $0x60  }
0xb4: {  	[dreg:$0x2] =	wrdreg s24  }
0xb5: {  	[dreg:$0x3] =	wrdreg s16  }
0xb6: {  	[dreg:$0x4] =	wrdreg $0x9  }
0xb7: {  	_ =	task.clear_ibuf [dreg:s7], $0x5FFFF;
	_ =	strace $0x90000049  }
0xb8: {  	s29 =	simm.s32 $0x9;
	_ =	strace $0x8000004B  }
0xb9: {  	_ =	swait.ge [sflag:s29], $0x1  }
0xba: {  	[sflag:s29] =	ssyncadd.s32 $0xFFFFFFFF  }
0xbb: {  	_ =	strace $0x9000004B  }
0xbc: {  	_ =	sfence  }
0xbd: {  	s30 =	sld [smem:$0x0];
	_ =	sdelay $0x2  }
0xbe: {  	s31 =	sshll.u32 s1, $0xD;
	s1 =	sshrl.u32 s1, $0x2  }
0xbf: {  	s3 =	sand.u32 $0x4000, s31;
	s1 =	sadd.s32 s1, s30  }
0xc0: {  	s0 =	sor.u32 s3, s0;
	s1 =	sshll.u32 s1, $0x11  }
0xc1: {  	s0 =	sor.u32 s1, s0  }
0xc2: {  	s0 =	sadd.s32 $0x8F2B, s0  }
0xc3: {  	[sflag:s0] =	ssyncadd.remote.s32 $0x1  }
0xc4: {  	_ =	sfence.sel $0xFFFF  }
0xc5: {  	[dreg:$0x0] =	wrdreg $0xFFFFFFFF;
	(pc) =	sbr.abs _section_cstart, $3  }
0xc6: {  	[dreg:$0x1] =	wrdreg $0xFFFFFFFF  }
0xc7: {  	_ =	task.clear_ibuf [dreg:s7], $0x2FFFF;
	_ =	strace $0x9FFFFFFF  }
0xc8: {  	(tm) =	ssettm $0x7FFFFFFF  }
0xc9: {  	_ =	shalt  }
tec
execute0_lowered:
.L_overlay_start_1:
0x0: {  	(tag) =	ssettag $0x1  }
0x1: {  	s0 =	rddreg [dreg:$0x0]  }
0x2: {  	s5 =	rddreg [dreg:$0x1];
	s3 =	srdreg.scid  }
0x3: {  	s2 =	simm.s32 $0x0;
	s1 =	stileid.u32;
	s26 =	simm.s32 $0x880  }
0x4: {  	s10 =	simm.s32 $0x1880;
	s11 =	simm.s32 $0x2080;
	s12 =	simm.s32 $0x2880  }
0x5: {  	s13 =	simm.s32 $0x3080;
	s14 =	simm.s32 $0x3880;
	s15 =	simm.s32 $0x4080  }
0x6: {  	s16 =	simm.s32 $0x4880;
	s17 =	simm.s32 $0x5080;
	s18 =	simm.s32 $0x5880  }
0x7: {  	s19 =	simm.s32 $0x6080;
	s20 =	simm.s32 $0x6880;
	s21 =	simm.s32 $0x7080  }
0x8: {  	s22 =	simm.s32 $0x7880;
	s28 =	simm.s32 $0xA080;
	s29 =	simm.s32 $0xA880  }
0x9: {  	s30 =	simm.s32 $0xB080;
	s31 =	simm.s32 $0xB880;
	s3 =	sand.u32 $0x1, s3  }
0xa: {  	[smem:$0x7FF] =	sst s2;
	s4 =	sshll.u32 s1, $0x4;
	s6 =	sshll.u32 s3, $0x3  }
0xb: {  	_ =	strace $0x8000004A;
	s23 =	ssub.s32 $0x2, s3;
	s3 =	sadd.s32 $0x18E00, s0  }
0xc: {  	[dreg:$0x5] =	wrdreg s26;
	s26 =	simm.s32 $0x9880;
	s4 =	sor.u32 s6, s4  }
0xd: {  	s8 =	sshrl.u32 s23, $0x1;
	s7 =	sadd.s32 s4, s0;
	s9 =	smul.u32 $0x300, s4  }
0xe: {  	s6 =	ssub.s32 s23, s8;
	s4 =	sadd.s32 $0x18F00, s0;
	s8 =	simm.s32 $0x80  }
0xf: {  	s23 =	simm.s32 $0x8080;
	s24 =	sadd.s32 $0x10C00, s7;
	s6 =	smax.u32 s6, $0x1  }
0x10: {  	v2 =	vlaneseq.u32;
	s7 =	simm.s32 $0x2;
	[dreg:$0x3] =	wrdreg s24;
	s25 =	sadd.s32 s5, s9  }
0x11: {  	vm0 =	vmmov $0xffff;
	v1 =	vshrl.u32 v2, $0x3;
	s5 =	sadd.s32 $0x19000, s0;
	s9 =	simm.s32 $0x1080;
	s24 =	simm.s32 $0x8880  }
0x12: {  	v0 =	vand.u32 $0x7, v2;
	v2 =	vor.u32 $0x8, v2;
	v1 =	vmul.u32 $0x8, v1;
	s0 =	simm.s32 $0x1;
	[dreg:$0x4] =	wrdreg s25;
	s25 =	simm.s32 $0x9080  }
.LBB2_1:
0x13: {  	s1 =	rddreg [dreg:$0x3]  }
0x14: {  	[tilespmem:s2], [sflag:$0x2] =	stream.linear.gather [hbm4b:s1+s2], $0x40, $0x38;
	[tilespmem:$0xC080] =	vst v63  }
0x15: {  	_ =	swait.ge [sflag:s7], $0x40  }
0x16: {  	[sflag:s7] =	ssyncset.done $0x0  }
0x17: {  	[sflag:s7] =	ssyncadd.s32 $0xFFFFFFC0  }
0x18: {  	v3 =	vld [tilespmem:$0x0];
	_ =	sdelay $0x4  }
0x19: {  	v4 =	vshrl.u32 v3, $0x3  }
0x1a: {  	v4 =	vmul.u32 $0x30, v4  }
0x1b: {  	v3 =	vand.u32 $0x7, v3  }
0x1c: {  	v3 =	vor.u32 v3, v4  }
0x1d: {  	v4 =	vperm.xlane v3, v0;
	_ =	sdelay $0x1  }
0x1e: {  	v4 =	vadd.s32 v1, v4;
	_ =	sdelay $0x3  }
0x1f: {  	v3 =	vperm.xlane v3, v2  }
0x20: {  	[tilespmem:s8], [sflag:$0x1] =	stream.indirect_vreg.gather [hbm4b:s3+s2], $0x80, v4, vm0, $0xb8;
	[tilespmem:$0xC080] =	vst v63  }
0x21: {  	s1 =	rddreg [dreg:$0x5];
	v3 =	vadd.s32 v1, v3  }
0x22: {  	[tilespmem:s1], [sflag:$0x1] =	stream.indirect_vreg.gather [hbm4b:s4+s2], $0x80, v4, vm0, $0xb8;
	[tilespmem:$0xC080] =	vst v63  }
0x23: {  	_ = 	snop  }
0x24: {  	[tilespmem:s9], [sflag:$0x1] =	stream.indirect_vreg.gather [hbm4b:s5+s2], $0x80, v4, vm0, $0xb8;
	[tilespmem:$0xC080] =	vst v63  }
0x25: {  	_ = 	snop  }
0x26: {  	[tilespmem:s10], [sflag:$0x1] =	stream.indirect_vreg.gather [hbm4b:s3+s2], $0x80, v3, vm0, $0xb8;
	[tilespmem:$0xC080] =	vst v63  }
0x27: {  	_ = 	snop  }
0x28: {  	[tilespmem:s11], [sflag:$0x1] =	stream.indirect_vreg.gather [hbm4b:s4+s2], $0x80, v3, vm0, $0xb8;
	[tilespmem:$0xC080] =	vst v63  }
0x29: {  	_ = 	snop  }
0x2a: {  	[tilespmem:s12], [sflag:$0x1] =	stream.indirect_vreg.gather [hbm4b:s5+s2], $0x80, v3, vm0, $0xb8;
	[tilespmem:$0xC080] =	vst v63  }
0x2b: {  	v3 =	vld [tilespmem:$0x10];
	_ =	sdelay $0x4  }
0x2c: {  	v61 =	vshrl.u32 v3, $0x3  }
0x2d: {  	v4 =	vmul.u32 $0x30, v61  }
0x2e: {  	v3 =	vand.u32 $0x7, v3  }
0x2f: {  	v3 =	vor.u32 v3, v4  }
0x30: {  	v4 =	vperm.xlane v3, v0;
	_ =	sdelay $0x1  }
0x31: {  	v4 =	vadd.s32 v1, v4;
	_ =	sdelay $0x3  }
0x32: {  	v3 =	vperm.xlane v3, v2  }
0x33: {  	[tilespmem:s13], [sflag:$0x1] =	stream.indirect_vreg.gather [hbm4b:s3+s2], $0x80, v4, vm0, $0xb8;
	[tilespmem:$0xC080] =	vst v63  }
0x34: {  	v3 =	vadd.s32 v1, v3  }
0x35: {  	[tilespmem:s14], [sflag:$0x1] =	stream.indirect_vreg.gather [hbm4b:s4+s2], $0x80, v4, vm0, $0xb8;
	[tilespmem:$0xC080] =	vst v63  }
0x36: {  	_ = 	snop  }
0x37: {  	[tilespmem:s15], [sflag:$0x1] =	stream.indirect_vreg.gather [hbm4b:s5+s2], $0x80, v4, vm0, $0xb8;
	[tilespmem:$0xC080] =	vst v63  }
0x38: {  	_ = 	snop  }
0x39: {  	[tilespmem:s16], [sflag:$0x1] =	stream.indirect_vreg.gather [hbm4b:s3+s2], $0x80, v3, vm0, $0xb8;
	[tilespmem:$0xC080] =	vst v63  }
0x3a: {  	_ = 	snop  }
0x3b: {  	[tilespmem:s17], [sflag:$0x1] =	stream.indirect_vreg.gather [hbm4b:s4+s2], $0x80, v3, vm0, $0xb8;
	[tilespmem:$0xC080] =	vst v63  }
0x3c: {  	_ = 	snop  }
0x3d: {  	[tilespmem:s18], [sflag:$0x1] =	stream.indirect_vreg.gather [hbm4b:s5+s2], $0x80, v3, vm0, $0xb8;
	[tilespmem:$0xC080] =	vst v63  }
0x3e: {  	v3 =	vld [tilespmem:$0x20];
	_ =	sdelay $0x4  }
0x3f: {  	v62 =	vshrl.u32 v3, $0x3  }
0x40: {  	v4 =	vmul.u32 $0x30, v62  }
0x41: {  	v3 =	vand.u32 $0x7, v3  }
0x42: {  	v3 =	vor.u32 v3, v4  }
0x43: {  	v4 =	vperm.xlane v3, v0;
	_ =	sdelay $0x1  }
0x44: {  	v4 =	vadd.s32 v1, v4;
	_ =	sdelay $0x3  }
0x45: {  	v3 =	vperm.xlane v3, v2  }
0x46: {  	[tilespmem:s19], [sflag:$0x1] =	stream.indirect_vreg.gather [hbm4b:s3+s2], $0x80, v4, vm0, $0xb8;
	[tilespmem:$0xC080] =	vst v63  }
0x47: {  	v3 =	vadd.s32 v1, v3  }
0x48: {  	[tilespmem:s20], [sflag:$0x1] =	stream.indirect_vreg.gather [hbm4b:s4+s2], $0x80, v4, vm0, $0xb8;
	[tilespmem:$0xC080] =	vst v63  }
0x49: {  	_ = 	snop  }
0x4a: {  	[tilespmem:s21], [sflag:$0x1] =	stream.indirect_vreg.gather [hbm4b:s5+s2], $0x80, v4, vm0, $0xb8;
	[tilespmem:$0xC080] =	vst v63  }
0x4b: {  	_ = 	snop  }
0x4c: {  	[tilespmem:s22], [sflag:$0x1] =	stream.indirect_vreg.gather [hbm4b:s3+s2], $0x80, v3, vm0, $0xb8;
	[tilespmem:$0xC080] =	vst v63  }
0x4d: {  	_ = 	snop  }
0x4e: {  	[tilespmem:s23], [sflag:$0x1] =	stream.indirect_vreg.gather [hbm4b:s4+s2], $0x80, v3, vm0, $0xb8;
	[tilespmem:$0xC080] =	vst v63  }
0x4f: {  	_ = 	snop  }
0x50: {  	[tilespmem:s24], [sflag:$0x1] =	stream.indirect_vreg.gather [hbm4b:s5+s2], $0x80, v3, vm0, $0xb8;
	[tilespmem:$0xC080] =	vst v63  }
0x51: {  	v3 =	vld [tilespmem:$0x30];
	_ =	sdelay $0x4  }
0x52: {  	v63 =	vshrl.u32 v3, $0x3  }
0x53: {  	v4 =	vmul.u32 $0x30, v63  }
0x54: {  	v3 =	vand.u32 $0x7, v3  }
0x55: {  	v3 =	vor.u32 v3, v4  }
0x56: {  	v4 =	vperm.xlane v3, v0;
	_ =	sdelay $0x1  }
0x57: {  	v4 =	vadd.s32 v1, v4;
	_ =	sdelay $0x3  }
0x58: {  	v3 =	vperm.xlane v3, v2  }
0x59: {  	[tilespmem:s25], [sflag:$0x1] =	stream.indirect_vreg.gather [hbm4b:s3+s2], $0x80, v4, vm0, $0xb8;
	[tilespmem:$0xC080] =	vst v63  }
0x5a: {  	v3 =	vadd.s32 v1, v3  }
0x5b: {  	[tilespmem:s26], [sflag:$0x1] =	stream.indirect_vreg.gather [hbm4b:s4+s2], $0x80, v4, vm0, $0xb8;
	[tilespmem:$0xC080] =	vst v63  }
0x5c: {  	_ = 	snop  }
0x5d: {  	[tilespmem:s28], [sflag:$0x1] =	stream.indirect_vreg.gather [hbm4b:s5+s2], $0x80, v4, vm0, $0xb8;
	[tilespmem:$0xC080] =	vst v63  }
0x5e: {  	_ = 	snop  }
0x5f: {  	[tilespmem:s29], [sflag:$0x1] =	stream.indirect_vreg.gather [hbm4b:s3+s2], $0x80, v3, vm0, $0xb8;
	[tilespmem:$0xC080] =	vst v63  }
0x60: {  	_ = 	snop  }
0x61: {  	[tilespmem:s30], [sflag:$0x1] =	stream.indirect_vreg.gather [hbm4b:s4+s2], $0x80, v3, vm0, $0xb8;
	[tilespmem:$0xC080] =	vst v63  }
0x62: {  	_ = 	snop  }
0x63: {  	[tilespmem:s31], [sflag:$0x1] =	stream.indirect_vreg.gather [hbm4b:s5+s2], $0x80, v3, vm0, $0xb8;
	[tilespmem:$0xC080] =	vst v63  }
0x64: {  	_ =	swait.ge [sflag:s0], $0xC000  }
0x65: {  	p0 =	sne.s32 s6, $0x1;
	[sflag:s0] =	ssyncset.done $0x0  }
.Ltmp0:
0x66: {  	s1 =	rddreg [dreg:$0x4];
	[sflag:s0] =	ssyncadd.s32 $0xFFFF4000;
	(pc) =	sbr.rel @p0 .LBB2_1-.Ltmp0, $4  }
0x67: {  	[hbm4b:s1+s2] =	stream.linear.scatter [tilespmem:s8], [sflag:$0x2], $0xC000, $0x38;
	[tilespmem:$0xC080] =	vst v63  }
0x68: {  	_ =	swait.ge [sflag:s7], $0xC000  }
0x69: {  	[sflag:s7] =	ssyncset.done $0x0  }
0x6a: {  	s6 =	sadd.s32 $0xFFFFFFFF, s6;
	[sflag:s7] =	ssyncadd.s32 $0xFFFF4000  }
0x6b: {  	_ =	sfence.sel $0x180000  }
0x6c: {  	[bflag:$0x0] =	sbarrier.arrive $0xFFFF  }
0x6d: {  	_ =	strace $0x9000004A  }
0x6e: {  	s0 =	stileid.u32;
	[bflag:$0x2] =	sbarrier.arrive $0xFFFF  }
0x6f: {  	p0 =	sne.s32 s0, $0x0;
	s0 =	rddreg [dreg:$0x2]  }
0x70: {  	s0 =	sadd.s32 @!p0 $0x100000, s0  }
0x71: {  	[sflag:s0] =	ssyncadd.tile.s32 @!p0 $0x1;
	_ =	shalt  }
.Lfunc_end2:
_tile_overlayer_lowered:
.L_overlay_start_2:
0x72: {  	(tag) =	ssettag $0x2  }
0x73: {  	s0 =	rddreg [dreg:$0x0];
	s2 =	stileid.u32  }
0x74: {  	s1 =	rddreg [dreg:$0x1];
	p0 =	sne.s32 s2, $0x0  }
0x75: {  	s3 =	rddreg [dreg:$0x2];
	[bflag:$0x3] =	sbarrier.arrive $0xFFFF;
	s2 =	simm.s32 @!p0 $0x1C02  }
0x76: {  	[timem:s3], [sflag:s2] =	dma.local @!p0 [hbm:s0], s1  }
0x77: {  	s0 =	simm.s32 @!p0 $0x2  }
0x78: {  	_ =	swait.ge @!p0 [sflag:s0], s1  }
0x79: {  	s1 =	ssub.s32 @!p0 $0x0, s1;
	[sflag:s0] =	ssyncset.done @!p0 $0x0  }
0x7a: {  	[sflag:s0] =	ssyncadd.s32 @!p0 s1  }
0x7b: {  	[bflag:$0x3] =	sbarrier.arrive $0xFFFF  }
0x7c: {  	_ =	shalt  }

</sc_bundles>
